<compile_context>
chip_gen: v7x
topology: tpu7x:2x2x1
jax: 0.10.2.dev20260603
libtpu: 0.0.44.dev20260713+nightly
codegen_flags: <defaults>
</compile_context>

<pallas_src>
import functools

import jax
import jax.numpy as jnp
from jax import lax
from jax.experimental import pallas as pl
from jax.experimental.pallas import tpu as pltpu
from jax.experimental.pallas import tpu_sc as plsc

_N = 10000
_E = 160000
_D = 256
_HALF = _D // 2
_CHUNK = 64
_NSUB = 16
_NCORE = 2
_CPT = 160
_ECHUNKS = _CPT * _NSUB
_EPAD = _ECHUNKS * _CHUNK
_NPAD = 10240
_TRASH = _NPAD - 8
_STRIPE = _NPAD // _NSUB


def _sc_body(x2, edges, zagg, zcnt, ones_h,
             agg_out, cnt_out,
             src_v, dst_v, rows_v, ones_v, agg_sh, cnt_sh,
             sem_g0, sem_g1, sem_g2, sem_g3,
             sem_d0, sem_d1, sem_d2, sem_d3):
    sem_g = (sem_g0, sem_g1, sem_g2, sem_g3)
    sem_d = (sem_d0, sem_d1, sem_d2, sem_d3)
    c = lax.axis_index("c")
    s = lax.axis_index("s")
    row0 = s * _STRIPE
    stripe = pl.ds(row0, _STRIPE)
    e0 = s * _CPT * _CHUNK

    pltpu.sync_copy(zagg.at[stripe], agg_sh.at[stripe])
    pltpu.sync_copy(zcnt.at[stripe], cnt_sh.at[stripe])
    pltpu.sync_copy(ones_h, ones_v)
    pltpu.sync_copy(edges.at[pl.ds(e0, _CPT * _CHUNK)], src_v)

    def xform(r, carry):
        sl = pl.ds(r * 16, 16)
        src_v[sl] = src_v[sl] * 2 + c
        return carry

    lax.fori_loop(0, _CPT * _CHUNK // 16, xform, 0)
    plsc.subcore_barrier()

    def gather(k, slot):
        return pltpu.make_async_copy(
            x2.at[src_v.at[pl.ds(k * _CHUNK, _CHUNK)]], rows_v.at[slot],
            sem_g[slot])

    def dst_load(k, slot):
        return pltpu.make_async_copy(
            edges.at[pl.ds(_EPAD + e0 + k * _CHUNK, _CHUNK)],
            dst_v.at[slot], sem_d[slot])

    def start(k, slot):
        dst_load(k, slot).start()
        gather(k, slot).start()

    def service(k, slot):
        gather(k, slot).wait()
        dst_load(k, slot).wait()
        pltpu.sync_copy(rows_v.at[slot], agg_sh.at[dst_v.at[slot]], add=True)
        pltpu.sync_copy(ones_v, cnt_sh.at[dst_v.at[slot]], add=True)

    start(0, 0)
    start(1, 1)
    start(2, 2)
    start(3, 3)
    service(0, 0)

    def group(g, carry):
        for u in range(4):
            k = 4 * g + u
            start(k, u)
            service(k - 3, (u + 1) % 4)
        return carry

    lax.fori_loop(1, _CPT // 4, group, 0)
    service(_CPT - 3, (_CPT - 3) % 4)
    service(_CPT - 2, (_CPT - 2) % 4)
    service(_CPT - 1, (_CPT - 1) % 4)

    plsc.subcore_barrier()

    pltpu.sync_copy(agg_sh.at[stripe],
                    agg_out.at[pl.ds(c * _NPAD + row0, _STRIPE)])
    pltpu.sync_copy(cnt_sh.at[stripe],
                    cnt_out.at[pl.ds(c * _NPAD + row0, _STRIPE)])


_sc_call = functools.partial(
    pl.kernel,
    out_type=(
        jax.ShapeDtypeStruct((_NCORE * _NPAD, _HALF), jnp.float32),
        jax.ShapeDtypeStruct((_NCORE * _NPAD,), jnp.float32),
    ),
    mesh=plsc.VectorSubcoreMesh(core_axis_name="c", subcore_axis_name="s"),
    scratch_types=[
        pltpu.VMEM((_CPT * _CHUNK,), jnp.int32),
        pltpu.VMEM((4, _CHUNK), jnp.int32),
        pltpu.VMEM((4, _CHUNK, _HALF), jnp.float32),
        pltpu.VMEM((_CHUNK,), jnp.float32),
        pltpu.VMEM_SHARED((_NPAD, _HALF), jnp.float32),
        pltpu.VMEM_SHARED((_NPAD,), jnp.float32),
        pltpu.SemaphoreType.DMA,
        pltpu.SemaphoreType.DMA,
        pltpu.SemaphoreType.DMA,
        pltpu.SemaphoreType.DMA,
        pltpu.SemaphoreType.DMA,
        pltpu.SemaphoreType.DMA,
        pltpu.SemaphoreType.DMA,
        pltpu.SemaphoreType.DMA,
    ],
)(_sc_body)


_BLK = 1000


def _tc_body(x_ref, a0_ref, a1_ref, cnt_ref, wl_ref, bl_ref, wr_ref,
             wlin_ref, blin_ref, o_ref):
    inv = 1.0 / jnp.maximum(cnt_ref[...], 1.0)
    m0 = a0_ref[...] * inv
    m1 = a1_ref[...] * inv
    h = (jnp.dot(m0, wl_ref[0:_HALF, :], preferred_element_type=jnp.float32)
         + jnp.dot(m1, wl_ref[_HALF:, :], preferred_element_type=jnp.float32)
         + jnp.dot(x_ref[...], wr_ref[...], preferred_element_type=jnp.float32)
         + bl_ref[...])
    h = jnp.maximum(h, 0.0)
    o_ref[...] = jnp.dot(h, wlin_ref[...],
                         preferred_element_type=jnp.float32) + blin_ref[...]


def _tc_tail(x, a0, a1, cnt, W_l, b_l, W_r, W_lin, b_lin):
    grid = (_N // _BLK,)
    return pl.pallas_call(
        _tc_body,
        grid=grid,
        in_specs=[
            pl.BlockSpec((_BLK, _D), lambda i: (i, 0)),
            pl.BlockSpec((_BLK, _HALF), lambda i: (i, 0)),
            pl.BlockSpec((_BLK, _HALF), lambda i: (i, 0)),
            pl.BlockSpec((_BLK, 1), lambda i: (i, 0)),
            pl.BlockSpec((_D, _D), lambda i: (0, 0)),
            pl.BlockSpec((1, _D), lambda i: (0, 0)),
            pl.BlockSpec((_D, _D), lambda i: (0, 0)),
            pl.BlockSpec((_D, 1), lambda i: (0, 0)),
            pl.BlockSpec((1, 1), lambda i: (0, 0)),
        ],
        out_specs=pl.BlockSpec((_BLK, 1), lambda i: (i, 0)),
        out_shape=jax.ShapeDtypeStruct((_N, 1), jnp.float32),
    )(x, a0, a1, cnt, W_l, b_l.reshape(1, _D), W_r, W_lin,
      b_lin.reshape(1, 1))


def kernel(x, edge_index, W_l, b_l, W_r, W_lin, b_lin):
    x2 = x.reshape(_NCORE * _N, _HALF)
    pad = _EPAD - _E
    src = jnp.concatenate([edge_index[0], jnp.zeros((pad,), jnp.int32)])
    dst = jnp.concatenate([edge_index[1],
                           jnp.full((pad,), _TRASH, jnp.int32)])
    edges = jnp.concatenate([src, dst])
    zagg = jnp.zeros((_NPAD, _HALF), jnp.float32)
    zcnt = jnp.zeros((_NPAD,), jnp.float32)
    ones_h = jnp.ones((_CHUNK,), jnp.float32)
    agg, cnt = _sc_call(x2, edges, zagg, zcnt, ones_h)
    return _tc_tail(x, agg[:_NPAD], agg[_NPAD:], cnt[:_NPAD].reshape(_NPAD, 1),
                    W_l, b_l, W_r, W_lin, b_lin)

# --- scband reference (transcript-rebuilt; emitter-appended) ---
"""Pipeline reference for scband-predictor-sageconv-61529701482520 (READ-ONLY COPY).

The authoritative reference and input builder live on the scoring server;
editing this copy changes nothing except your own understanding.
"""

import jax, jax.numpy as jnp
import numpy as np

N = 10000
E = 160000
D = 256

def setup_inputs(seed: int = 0) -> dict:
    key = jax.random.key(seed)
    k1, k2, k3, k4, k5, k6, k7, k8 = jax.random.split(key, 8)
    x = jax.random.normal(k1, (N, D), dtype=jnp.float32)
    edge_index = jax.random.randint(k2, (2, E), 0, N, dtype=jnp.int32)
    s = 1.0 / np.sqrt(D)
    # SAGEConv params: lin_l (applied to mean-aggregated neighbors, with bias),
    # lin_r (applied to root/self features, no bias by PyG default)
    W_l = jax.random.uniform(k3, (D, D), jnp.float32, -s, s)
    b_l = jax.random.uniform(k4, (D,), jnp.float32, -s, s)
    W_r = jax.random.uniform(k5, (D, D), jnp.float32, -s, s)
    # final Linear(out_channels, 1)
    W_lin = jax.random.uniform(k6, (D, 1), jnp.float32, -s, s)
    b_lin = jax.random.uniform(k7, (1,), jnp.float32, -s, s)
    return {"x": x, "edge_index": edge_index, "W_l": W_l, "b_l": b_l, "W_r": W_r, "W_lin": W_lin, "b_lin": b_lin}

def reference(x, edge_index, W_l, b_l, W_r, W_lin, b_lin):
    src = edge_index[0]
    dst = edge_index[1]
    # mean aggregation of neighbor messages (SAGEConv default aggr='mean')
    msgs = jnp.take(x, src, axis=0)                       # gather [E, D]
    agg = jax.ops.segment_sum(msgs, dst, num_segments=N)  # scatter-add [N, D]
    cnt = jax.ops.segment_sum(jnp.ones((E,), jnp.float32), dst, num_segments=N)
    mean = agg / jnp.clip(cnt, 1.0, None)[:, None]
    # SAGEConv: lin_l(mean_neighbors) + lin_r(x)
    h = mean @ W_l + b_l + x @ W_r
    h = jax.nn.relu(h)
    out = h @ W_lin + b_lin                               # [N, 1]
    return out

if __name__ == "__main__":
    import jax
    _d = setup_inputs()
    print(jax.jit(kernel)(*tuple(_d.values())))

</pallas_src>

<mosaic_0001>
#map = affine_map<(d0, d1) -> (0, 0)>
#map1 = affine_map<(d0, d1) -> (0)>
module attributes {stable_mosaic.version = 14 : i64} {
  func.func @_sc_body(%arg0: i32, %arg1: i32, %arg2: memref<20000x128xf32, #tpu.memory_space<hbm>>, %arg3: memref<327680xi32, #tpu.memory_space<hbm>>, %arg4: memref<10240x128xf32, #tpu.memory_space<hbm>>, %arg5: memref<10240xf32, #tpu.memory_space<hbm>>, %arg6: memref<64xf32, #tpu.memory_space<hbm>>, %arg7: memref<20480x128xf32, #tpu.memory_space<hbm>>, %arg8: memref<20480xf32, #tpu.memory_space<hbm>>, %arg9: memref<10240xi32, #tpu.memory_space<vmem>>, %arg10: memref<4x64xi32, #tpu.memory_space<vmem>>, %arg11: memref<4x64x128xf32, #tpu.memory_space<vmem>>, %arg12: memref<64xf32, #tpu.memory_space<vmem>>, %arg13: memref<10240x128xf32, #tpu.memory_space<vmem_shared>>, %arg14: memref<10240xf32, #tpu.memory_space<vmem_shared>>, %arg15: memref<!tpu.dma_semaphore, #tpu.memory_space<semaphore_mem>>, %arg16: memref<!tpu.dma_semaphore, #tpu.memory_space<semaphore_mem>>, %arg17: memref<!tpu.dma_semaphore, #tpu.memory_space<semaphore_mem>>, %arg18: memref<!tpu.dma_semaphore, #tpu.memory_space<semaphore_mem>>, %arg19: memref<!tpu.dma_semaphore, #tpu.memory_space<semaphore_mem>>, %arg20: memref<!tpu.dma_semaphore, #tpu.memory_space<semaphore_mem>>, %arg21: memref<!tpu.dma_semaphore, #tpu.memory_space<semaphore_mem>>, %arg22: memref<!tpu.dma_semaphore, #tpu.memory_space<semaphore_mem>>) attributes {dimension_semantics = [#tpu.dimension_semantics<core_parallel>, #tpu.dimension_semantics<subcore_parallel>], iteration_bounds = array<i64: 2, 16>, scalar_prefetch = 0 : i64, scratch_operands = 14 : i64, tpu.core_type = #tpu.core_type<sc_vector_subcore>, window_params = [{transform_indices = #map}, {transform_indices = #map1}, {transform_indices = #map}, {transform_indices = #map1}, {transform_indices = #map1}, {transform_indices = #map}, {transform_indices = #map1}]} {
    %mul3A = arith.constant 640 : i32
    %mul3A_0 = arith.muli %arg1, %mul3A : i32
    %mul3A_1 = arith.constant 160 : i32
    %mul3A_2 = arith.muli %arg1, %mul3A_1 : i32
    %mul3A_3 = arith.constant 64 : i32
    %mul3A_4 = arith.muli %mul3A_2, %mul3A_3 : i32
    "tpu.region"() ({
      %run_scoped3A_215 = tpu.sem_alloc : memref<!tpu.dma_semaphore, #tpu.memory_space<semaphore_mem>>
      %dma_start3A_216 = arith.constant 0 : i32
      %dma_start3A_217 = tpu.memref_slice %arg13[%mul3A_0, %dma_start3A_216] : memref<10240x128xf32, #tpu.memory_space<vmem_shared>> -> memref<640x128xf32, #tpu.memory_space<vmem_shared>>
      %dma_start3A_218 = arith.constant 0 : i32
      %dma_start3A_219 = tpu.memref_slice %arg4[%mul3A_0, %dma_start3A_218] : memref<10240x128xf32, #tpu.memory_space<hbm>> -> memref<640x128xf32, #tpu.memory_space<hbm>>
      tpu.enqueue_dma source(%dma_start3A_219 : memref<640x128xf32, #tpu.memory_space<hbm>>) target(%dma_start3A_217 : memref<640x128xf32, #tpu.memory_space<vmem_shared>>) target_semaphore(%run_scoped3A_215 : memref<!tpu.dma_semaphore, #tpu.memory_space<semaphore_mem>>)
      %dma_wait3A_220 = arith.constant 0 : i32
      %dma_wait3A_221 = tpu.memref_slice %arg13[%mul3A_0, %dma_wait3A_220] : memref<10240x128xf32, #tpu.memory_space<vmem_shared>> -> memref<640x128xf32, #tpu.memory_space<vmem_shared>>
      %dma_wait3A_222 = arith.constant 0 : i32
      %dma_wait3A_223 = tpu.memref_slice %arg4[%mul3A_0, %dma_wait3A_222] : memref<10240x128xf32, #tpu.memory_space<hbm>> -> memref<640x128xf32, #tpu.memory_space<hbm>>
      tpu.wait_dma2 semaphore(%run_scoped3A_215 : memref<!tpu.dma_semaphore, #tpu.memory_space<semaphore_mem>>) src(%dma_wait3A_223 : memref<640x128xf32, #tpu.memory_space<hbm>>) dst(%dma_wait3A_221 : memref<640x128xf32, #tpu.memory_space<vmem_shared>>)
      tpu.yield
    }) : () -> ()
    "tpu.region"() ({
      %run_scoped3A_215 = tpu.sem_alloc : memref<!tpu.dma_semaphore, #tpu.memory_space<semaphore_mem>>
      %dma_start3A_216 = tpu.memref_slice %arg14[%mul3A_0] : memref<10240xf32, #tpu.memory_space<vmem_shared>> -> memref<640xf32, #tpu.memory_space<vmem_shared>>
      %dma_start3A_217 = tpu.memref_slice %arg5[%mul3A_0] : memref<10240xf32, #tpu.memory_space<hbm>> -> memref<640xf32, #tpu.memory_space<hbm>>
      tpu.enqueue_dma source(%dma_start3A_217 : memref<640xf32, #tpu.memory_space<hbm>>) target(%dma_start3A_216 : memref<640xf32, #tpu.memory_space<vmem_shared>>) target_semaphore(%run_scoped3A_215 : memref<!tpu.dma_semaphore, #tpu.memory_space<semaphore_mem>>)
      %dma_wait3A_218 = tpu.memref_slice %arg14[%mul3A_0] : memref<10240xf32, #tpu.memory_space<vmem_shared>> -> memref<640xf32, #tpu.memory_space<vmem_shared>>
      %dma_wait3A_219 = tpu.memref_slice %arg5[%mul3A_0] : memref<10240xf32, #tpu.memory_space<hbm>> -> memref<640xf32, #tpu.memory_space<hbm>>
      tpu.wait_dma2 semaphore(%run_scoped3A_215 : memref<!tpu.dma_semaphore, #tpu.memory_space<semaphore_mem>>) src(%dma_wait3A_219 : memref<640xf32, #tpu.memory_space<hbm>>) dst(%dma_wait3A_218 : memref<640xf32, #tpu.memory_space<vmem_shared>>)
      tpu.yield
    }) : () -> ()
    "tpu.region"() ({
      %run_scoped3A_215 = tpu.sem_alloc : memref<!tpu.dma_semaphore, #tpu.memory_space<semaphore_mem>>
      tpu.enqueue_dma source(%arg6 : memref<64xf32, #tpu.memory_space<hbm>>) target(%arg12 : memref<64xf32, #tpu.memory_space<vmem>>) target_semaphore(%run_scoped3A_215 : memref<!tpu.dma_semaphore, #tpu.memory_space<semaphore_mem>>)
      tpu.wait_dma2 semaphore(%run_scoped3A_215 : memref<!tpu.dma_semaphore, #tpu.memory_space<semaphore_mem>>) src(%arg6 : memref<64xf32, #tpu.memory_space<hbm>>) dst(%arg12 : memref<64xf32, #tpu.memory_space<vmem>>)
      tpu.yield
    }) : () -> ()
    "tpu.region"() ({
      %run_scoped3A_215 = tpu.sem_alloc : memref<!tpu.dma_semaphore, #tpu.memory_space<semaphore_mem>>
      %dma_start3A_216 = tpu.memref_slice %arg3[%mul3A_4] : memref<327680xi32, #tpu.memory_space<hbm>> -> memref<10240xi32, #tpu.memory_space<hbm>>
      %dma_start3A_217 = tpu.memref_slice %arg3[%mul3A_4] : memref<327680xi32, #tpu.memory_space<hbm>> -> memref<10240xi32, #tpu.memory_space<hbm>>
      tpu.enqueue_dma source(%dma_start3A_217 : memref<10240xi32, #tpu.memory_space<hbm>>) target(%arg9 : memref<10240xi32, #tpu.memory_space<vmem>>) target_semaphore(%run_scoped3A_215 : memref<!tpu.dma_semaphore, #tpu.memory_space<semaphore_mem>>)
      %dma_wait3A_218 = tpu.memref_slice %arg3[%mul3A_4] : memref<327680xi32, #tpu.memory_space<hbm>> -> memref<10240xi32, #tpu.memory_space<hbm>>
      %dma_wait3A_219 = tpu.memref_slice %arg3[%mul3A_4] : memref<327680xi32, #tpu.memory_space<hbm>> -> memref<10240xi32, #tpu.memory_space<hbm>>
      tpu.wait_dma2 semaphore(%run_scoped3A_215 : memref<!tpu.dma_semaphore, #tpu.memory_space<semaphore_mem>>) src(%dma_wait3A_219 : memref<10240xi32, #tpu.memory_space<hbm>>) dst(%arg9 : memref<10240xi32, #tpu.memory_space<vmem>>)
      tpu.yield
    }) : () -> ()
    %scan3A = arith.constant 0 : i32
    %scan3A_5 = arith.constant 0 : i32
    %scan3A_6 = arith.constant 640 : i32
    %scan3A_7 = arith.addi %scan3A_5, %scan3A_6 : i32
    %scan3A_8 = arith.constant 1 : i32
    scf.for %scan3A_215 = %scan3A_5 to %scan3A_7 step %scan3A_8  : i32 {
      %mul3A_216 = arith.constant 16 : i32
      %mul3A_217 = arith.muli %scan3A_215, %mul3A_216 : i32
      %get3A = arith.index_cast %mul3A_217 : i32 to index
      %get3A_218 = tpu.vector_load %arg9[%get3A] {strides = array<i32>} : memref<10240xi32, #tpu.memory_space<vmem>>, vector<16xi32>,
      %get3A_219 = vector.shape_cast %get3A_218 : vector<16xi32> to vector<16xi32>
      %mul3A_220 = arith.constant 2 : i32
      %mul3A_221 = vector.broadcast %mul3A_220 : i32 to vector<16xi32>
      %mul3A_222 = arith.muli %get3A_219, %mul3A_221 : vector<16xi32>
      %add3A_223 = vector.broadcast %arg0 : i32 to vector<16xi32>
      %add3A_224 = arith.addi %mul3A_222, %add3A_223 : vector<16xi32>
      %swap3A = arith.index_cast %mul3A_217 : i32 to index
      %swap3A_225 = tpu.vector_load %arg9[%swap3A] {strides = array<i32>} : memref<10240xi32, #tpu.memory_space<vmem>>, vector<16xi32>,
      %swap3A_226 = vector.shape_cast %swap3A_225 : vector<16xi32> to vector<16xi32>
      %swap3A_227 = vector.shape_cast %add3A_224 : vector<16xi32> to vector<16xi32>
      tpu.vector_store %arg9[%swap3A], %swap3A_227 {strides = array<i32>} : memref<10240xi32, #tpu.memory_space<vmem>>, vector<16xi32>,
    }
    %scan3A_9 = arith.constant 640 : i32
    %barrier3A = arith.constant 0 : index
    tpu.barrier barrier_id(%barrier3A)
    %add3A = arith.constant 163840 : i32
    %add3A_10 = arith.addi %add3A, %mul3A_4 : i32
    %add3A_11 = arith.constant 0 : i32
    %add3A_12 = arith.addi %add3A_10, %add3A_11 : i32
    %dma_start3A = arith.constant 0 : i32
    %dma_start3A_13 = arith.constant 0 : i32
    %dma_start3A_14 = tpu.memref_slice %arg10[%dma_start3A, %dma_start3A_13] : memref<4x64xi32, #tpu.memory_space<vmem>> -> memref<1x64xi32, #tpu.memory_space<vmem>>
    %dma_start3A_15 = tpu.memref_squeeze %dma_start3A_14 : memref<1x64xi32, #tpu.memory_space<vmem>> -> memref<64xi32, #tpu.memory_space<vmem>>
    %dma_start3A_16 = tpu.memref_slice %arg3[%add3A_12] : memref<327680xi32, #tpu.memory_space<hbm>> -> memref<64xi32, #tpu.memory_space<hbm>>
    %dma_start3A_17 = arith.constant 0 : i32
    %dma_start3A_18 = tpu.memref_slice %arg10[%dma_start3A, %dma_start3A_17] : memref<4x64xi32, #tpu.memory_space<vmem>> -> memref<1x64xi32, #tpu.memory_space<vmem>>
    %dma_start3A_19 = tpu.memref_squeeze %dma_start3A_18 : memref<1x64xi32, #tpu.memory_space<vmem>> -> memref<64xi32, #tpu.memory_space<vmem>>
    %dma_start3A_20 = tpu.memref_slice %arg3[%add3A_12] : memref<327680xi32, #tpu.memory_space<hbm>> -> memref<64xi32, #tpu.memory_space<hbm>>
    tpu.enqueue_dma source(%dma_start3A_20 : memref<64xi32, #tpu.memory_space<hbm>>) target(%dma_start3A_19 : memref<64xi32, #tpu.memory_space<vmem>>) target_semaphore(%arg19 : memref<!tpu.dma_semaphore, #tpu.memory_space<semaphore_mem>>)
    %dma_start3A_21 = arith.constant 0 : i32
    %dma_start3A_22 = arith.constant 0 : i32
    %dma_start3A_23 = arith.constant 0 : i32
    %dma_start3A_24 = tpu.memref_slice %arg11[%dma_start3A_21, %dma_start3A_22, %dma_start3A_23] : memref<4x64x128xf32, #tpu.memory_space<vmem>> -> memref<1x64x128xf32, #tpu.memory_space<vmem>>
    %dma_start3A_25 = tpu.memref_squeeze %dma_start3A_24 : memref<1x64x128xf32, #tpu.memory_space<vmem>> -> memref<64x128xf32, #tpu.memory_space<vmem>>
    %dma_start3A_26 = arith.constant 0 : i32
    %dma_start3A_27 = tpu.memref_slice %arg9[%dma_start3A_26] : memref<10240xi32, #tpu.memory_space<vmem>> -> memref<64xi32, #tpu.memory_space<vmem>>
    %dma_start3A_28 = arith.constant 0 : i32
    %dma_start3A_29 = arith.constant 0 : i32
    %dma_start3A_30 = tpu.memref_slice %arg2[%dma_start3A_28, %dma_start3A_29] : memref<20000x128xf32, #tpu.memory_space<hbm>> -> memref<20000x128xf32, #tpu.memory_space<hbm>>
    tpu.enqueue_indirect_dma source(%dma_start3A_30 : memref<20000x128xf32, #tpu.memory_space<hbm>>) target(%dma_start3A_25 : memref<64x128xf32, #tpu.memory_space<vmem>>) offsets(%dma_start3A_27 : memref<64xi32, #tpu.memory_space<vmem>>) semaphore(%arg15 : memref<!tpu.dma_semaphore, #tpu.memory_space<semaphore_mem>>)
    %add3A_31 = arith.constant 163840 : i32
    %add3A_32 = arith.addi %add3A_31, %mul3A_4 : i32
    %add3A_33 = arith.constant 64 : i32
    %add3A_34 = arith.addi %add3A_32, %add3A_33 : i32
    %dma_start3A_35 = arith.constant 1 : i32
    %dma_start3A_36 = arith.constant 0 : i32
    %dma_start3A_37 = tpu.memref_slice %arg10[%dma_start3A_35, %dma_start3A_36] : memref<4x64xi32, #tpu.memory_space<vmem>> -> memref<1x64xi32, #tpu.memory_space<vmem>>
    %dma_start3A_38 = tpu.memref_squeeze %dma_start3A_37 : memref<1x64xi32, #tpu.memory_space<vmem>> -> memref<64xi32, #tpu.memory_space<vmem>>
    %dma_start3A_39 = tpu.memref_slice %arg3[%add3A_34] : memref<327680xi32, #tpu.memory_space<hbm>> -> memref<64xi32, #tpu.memory_space<hbm>>
    %dma_start3A_40 = arith.constant 0 : i32
    %dma_start3A_41 = tpu.memref_slice %arg10[%dma_start3A_35, %dma_start3A_40] : memref<4x64xi32, #tpu.memory_space<vmem>> -> memref<1x64xi32, #tpu.memory_space<vmem>>
    %dma_start3A_42 = tpu.memref_squeeze %dma_start3A_41 : memref<1x64xi32, #tpu.memory_space<vmem>> -> memref<64xi32, #tpu.memory_space<vmem>>
    %dma_start3A_43 = tpu.memref_slice %arg3[%add3A_34] : memref<327680xi32, #tpu.memory_space<hbm>> -> memref<64xi32, #tpu.memory_space<hbm>>
    tpu.enqueue_dma source(%dma_start3A_43 : memref<64xi32, #tpu.memory_space<hbm>>) target(%dma_start3A_42 : memref<64xi32, #tpu.memory_space<vmem>>) target_semaphore(%arg20 : memref<!tpu.dma_semaphore, #tpu.memory_space<semaphore_mem>>)
    %dma_start3A_44 = arith.constant 1 : i32
    %dma_start3A_45 = arith.constant 0 : i32
    %dma_start3A_46 = arith.constant 0 : i32
    %dma_start3A_47 = tpu.memref_slice %arg11[%dma_start3A_44, %dma_start3A_45, %dma_start3A_46] : memref<4x64x128xf32, #tpu.memory_space<vmem>> -> memref<1x64x128xf32, #tpu.memory_space<vmem>>
    %dma_start3A_48 = tpu.memref_squeeze %dma_start3A_47 : memref<1x64x128xf32, #tpu.memory_space<vmem>> -> memref<64x128xf32, #tpu.memory_space<vmem>>
    %dma_start3A_49 = arith.constant 64 : i32
    %dma_start3A_50 = tpu.memref_slice %arg9[%dma_start3A_49] : memref<10240xi32, #tpu.memory_space<vmem>> -> memref<64xi32, #tpu.memory_space<vmem>>
    %dma_start3A_51 = arith.constant 0 : i32
    %dma_start3A_52 = arith.constant 0 : i32
    %dma_start3A_53 = tpu.memref_slice %arg2[%dma_start3A_51, %dma_start3A_52] : memref<20000x128xf32, #tpu.memory_space<hbm>> -> memref<20000x128xf32, #tpu.memory_space<hbm>>
    tpu.enqueue_indirect_dma source(%dma_start3A_53 : memref<20000x128xf32, #tpu.memory_space<hbm>>) target(%dma_start3A_48 : memref<64x128xf32, #tpu.memory_space<vmem>>) offsets(%dma_start3A_50 : memref<64xi32, #tpu.memory_space<vmem>>) semaphore(%arg16 : memref<!tpu.dma_semaphore, #tpu.memory_space<semaphore_mem>>)
    %add3A_54 = arith.constant 163840 : i32
    %add3A_55 = arith.addi %add3A_54, %mul3A_4 : i32
    %add3A_56 = arith.constant 128 : i32
    %add3A_57 = arith.addi %add3A_55, %add3A_56 : i32
    %dma_start3A_58 = arith.constant 2 : i32
    %dma_start3A_59 = arith.constant 0 : i32
    %dma_start3A_60 = tpu.memref_slice %arg10[%dma_start3A_58, %dma_start3A_59] : memref<4x64xi32, #tpu.memory_space<vmem>> -> memref<1x64xi32, #tpu.memory_space<vmem>>
    %dma_start3A_61 = tpu.memref_squeeze %dma_start3A_60 : memref<1x64xi32, #tpu.memory_space<vmem>> -> memref<64xi32, #tpu.memory_space<vmem>>
    %dma_start3A_62 = tpu.memref_slice %arg3[%add3A_57] : memref<327680xi32, #tpu.memory_space<hbm>> -> memref<64xi32, #tpu.memory_space<hbm>>
    %dma_start3A_63 = arith.constant 0 : i32
    %dma_start3A_64 = tpu.memref_slice %arg10[%dma_start3A_58, %dma_start3A_63] : memref<4x64xi32, #tpu.memory_space<vmem>> -> memref<1x64xi32, #tpu.memory_space<vmem>>
    %dma_start3A_65 = tpu.memref_squeeze %dma_start3A_64 : memref<1x64xi32, #tpu.memory_space<vmem>> -> memref<64xi32, #tpu.memory_space<vmem>>
    %dma_start3A_66 = tpu.memref_slice %arg3[%add3A_57] : memref<327680xi32, #tpu.memory_space<hbm>> -> memref<64xi32, #tpu.memory_space<hbm>>
    tpu.enqueue_dma source(%dma_start3A_66 : memref<64xi32, #tpu.memory_space<hbm>>) target(%dma_start3A_65 : memref<64xi32, #tpu.memory_space<vmem>>) target_semaphore(%arg21 : memref<!tpu.dma_semaphore, #tpu.memory_space<semaphore_mem>>)
    %dma_start3A_67 = arith.constant 2 : i32
    %dma_start3A_68 = arith.constant 0 : i32
    %dma_start3A_69 = arith.constant 0 : i32
    %dma_start3A_70 = tpu.memref_slice %arg11[%dma_start3A_67, %dma_start3A_68, %dma_start3A_69] : memref<4x64x128xf32, #tpu.memory_space<vmem>> -> memref<1x64x128xf32, #tpu.memory_space<vmem>>
    %dma_start3A_71 = tpu.memref_squeeze %dma_start3A_70 : memref<1x64x128xf32, #tpu.memory_space<vmem>> -> memref<64x128xf32, #tpu.memory_space<vmem>>
    %dma_start3A_72 = arith.constant 128 : i32
    %dma_start3A_73 = tpu.memref_slice %arg9[%dma_start3A_72] : memref<10240xi32, #tpu.memory_space<vmem>> -> memref<64xi32, #tpu.memory_space<vmem>>
    %dma_start3A_74 = arith.constant 0 : i32
    %dma_start3A_75 = arith.constant 0 : i32
    %dma_start3A_76 = tpu.memref_slice %arg2[%dma_start3A_74, %dma_start3A_75] : memref<20000x128xf32, #tpu.memory_space<hbm>> -> memref<20000x128xf32, #tpu.memory_space<hbm>>
    tpu.enqueue_indirect_dma source(%dma_start3A_76 : memref<20000x128xf32, #tpu.memory_space<hbm>>) target(%dma_start3A_71 : memref<64x128xf32, #tpu.memory_space<vmem>>) offsets(%dma_start3A_73 : memref<64xi32, #tpu.memory_space<vmem>>) semaphore(%arg17 : memref<!tpu.dma_semaphore, #tpu.memory_space<semaphore_mem>>)
    %add3A_77 = arith.constant 163840 : i32
    %add3A_78 = arith.addi %add3A_77, %mul3A_4 : i32
    %add3A_79 = arith.constant 192 : i32
    %add3A_80 = arith.addi %add3A_78, %add3A_79 : i32
    %dma_start3A_81 = arith.constant 3 : i32
    %dma_start3A_82 = arith.constant 0 : i32
    %dma_start3A_83 = tpu.memref_slice %arg10[%dma_start3A_81, %dma_start3A_82] : memref<4x64xi32, #tpu.memory_space<vmem>> -> memref<1x64xi32, #tpu.memory_space<vmem>>
    %dma_start3A_84 = tpu.memref_squeeze %dma_start3A_83 : memref<1x64xi32, #tpu.memory_space<vmem>> -> memref<64xi32, #tpu.memory_space<vmem>>
    %dma_start3A_85 = tpu.memref_slice %arg3[%add3A_80] : memref<327680xi32, #tpu.memory_space<hbm>> -> memref<64xi32, #tpu.memory_space<hbm>>
    %dma_start3A_86 = arith.constant 0 : i32
    %dma_start3A_87 = tpu.memref_slice %arg10[%dma_start3A_81, %dma_start3A_86] : memref<4x64xi32, #tpu.memory_space<vmem>> -> memref<1x64xi32, #tpu.memory_space<vmem>>
    %dma_start3A_88 = tpu.memref_squeeze %dma_start3A_87 : memref<1x64xi32, #tpu.memory_space<vmem>> -> memref<64xi32, #tpu.memory_space<vmem>>
    %dma_start3A_89 = tpu.memref_slice %arg3[%add3A_80] : memref<327680xi32, #tpu.memory_space<hbm>> -> memref<64xi32, #tpu.memory_space<hbm>>
    tpu.enqueue_dma source(%dma_start3A_89 : memref<64xi32, #tpu.memory_space<hbm>>) target(%dma_start3A_88 : memref<64xi32, #tpu.memory_space<vmem>>) target_semaphore(%arg22 : memref<!tpu.dma_semaphore, #tpu.memory_space<semaphore_mem>>)
    %dma_start3A_90 = arith.constant 3 : i32
    %dma_start3A_91 = arith.constant 0 : i32
    %dma_start3A_92 = arith.constant 0 : i32
    %dma_start3A_93 = tpu.memref_slice %arg11[%dma_start3A_90, %dma_start3A_91, %dma_start3A_92] : memref<4x64x128xf32, #tpu.memory_space<vmem>> -> memref<1x64x128xf32, #tpu.memory_space<vmem>>
    %dma_start3A_94 = tpu.memref_squeeze %dma_start3A_93 : memref<1x64x128xf32, #tpu.memory_space<vmem>> -> memref<64x128xf32, #tpu.memory_space<vmem>>
    %dma_start3A_95 = arith.constant 192 : i32
    %dma_start3A_96 = tpu.memref_slice %arg9[%dma_start3A_95] : memref<10240xi32, #tpu.memory_space<vmem>> -> memref<64xi32, #tpu.memory_space<vmem>>
    %dma_start3A_97 = arith.constant 0 : i32
    %dma_start3A_98 = arith.constant 0 : i32
    %dma_start3A_99 = tpu.memref_slice %arg2[%dma_start3A_97, %dma_start3A_98] : memref<20000x128xf32, #tpu.memory_space<hbm>> -> memref<20000x128xf32, #tpu.memory_space<hbm>>
    tpu.enqueue_indirect_dma source(%dma_start3A_99 : memref<20000x128xf32, #tpu.memory_space<hbm>>) target(%dma_start3A_94 : memref<64x128xf32, #tpu.memory_space<vmem>>) offsets(%dma_start3A_96 : memref<64xi32, #tpu.memory_space<vmem>>) semaphore(%arg18 : memref<!tpu.dma_semaphore, #tpu.memory_space<semaphore_mem>>)
    %dma_wait3A = arith.constant 0 : i32
    %dma_wait3A_100 = arith.constant 0 : i32
    %dma_wait3A_101 = arith.constant 0 : i32
    %dma_wait3A_102 = tpu.memref_slice %arg11[%dma_wait3A, %dma_wait3A_100, %dma_wait3A_101] : memref<4x64x128xf32, #tpu.memory_space<vmem>> -> memref<1x64x128xf32, #tpu.memory_space<vmem>>
    %dma_wait3A_103 = tpu.memref_squeeze %dma_wait3A_102 : memref<1x64x128xf32, #tpu.memory_space<vmem>> -> memref<64x128xf32, #tpu.memory_space<vmem>>
    %dma_wait3A_104 = arith.constant 0 : i32
    %dma_wait3A_105 = tpu.memref_slice %arg9[%dma_wait3A_104] : memref<10240xi32, #tpu.memory_space<vmem>> -> memref<64xi32, #tpu.memory_space<vmem>>
    %dma_wait3A_106 = arith.constant 0 : i32
    %dma_wait3A_107 = arith.constant 0 : i32
    %dma_wait3A_108 = tpu.memref_slice %arg2[%dma_wait3A_106, %dma_wait3A_107] : memref<20000x128xf32, #tpu.memory_space<hbm>> -> memref<20000x128xf32, #tpu.memory_space<hbm>>
    tpu.wait_indirect_dma semaphore(%arg15 : memref<!tpu.dma_semaphore, #tpu.memory_space<semaphore_mem>>) src(%dma_wait3A_108 : memref<20000x128xf32, #tpu.memory_space<hbm>>) dst(%dma_wait3A_103 : memref<64x128xf32, #tpu.memory_space<vmem>>)
    %add3A_109 = arith.constant 163840 : i32
    %add3A_110 = arith.addi %add3A_109, %mul3A_4 : i32
    %add3A_111 = arith.constant 0 : i32
    %add3A_112 = arith.addi %add3A_110, %add3A_111 : i32
    %dma_wait3A_113 = arith.constant 0 : i32
    %dma_wait3A_114 = arith.constant 0 : i32
    %dma_wait3A_115 = tpu.memref_slice %arg10[%dma_wait3A_113, %dma_wait3A_114] : memref<4x64xi32, #tpu.memory_space<vmem>> -> memref<1x64xi32, #tpu.memory_space<vmem>>
    %dma_wait3A_116 = tpu.memref_squeeze %dma_wait3A_115 : memref<1x64xi32, #tpu.memory_space<vmem>> -> memref<64xi32, #tpu.memory_space<vmem>>
    %dma_wait3A_117 = tpu.memref_slice %arg3[%add3A_112] : memref<327680xi32, #tpu.memory_space<hbm>> -> memref<64xi32, #tpu.memory_space<hbm>>
    %dma_wait3A_118 = arith.constant 0 : i32
    %dma_wait3A_119 = tpu.memref_slice %arg10[%dma_wait3A_113, %dma_wait3A_118] : memref<4x64xi32, #tpu.memory_space<vmem>> -> memref<1x64xi32, #tpu.memory_space<vmem>>
    %dma_wait3A_120 = tpu.memref_squeeze %dma_wait3A_119 : memref<1x64xi32, #tpu.memory_space<vmem>> -> memref<64xi32, #tpu.memory_space<vmem>>
    %dma_wait3A_121 = tpu.memref_slice %arg3[%add3A_112] : memref<327680xi32, #tpu.memory_space<hbm>> -> memref<64xi32, #tpu.memory_space<hbm>>
    tpu.wait_dma2 semaphore(%arg19 : memref<!tpu.dma_semaphore, #tpu.memory_space<semaphore_mem>>) src(%dma_wait3A_121 : memref<64xi32, #tpu.memory_space<hbm>>) dst(%dma_wait3A_120 : memref<64xi32, #tpu.memory_space<vmem>>)
    %run_scoped3A = arith.constant 0 : i32
    %run_scoped3A_122 = arith.constant 0 : i32
    "tpu.region"() ({
      %run_scoped3A_215 = tpu.sem_alloc : memref<!tpu.dma_semaphore, #tpu.memory_space<semaphore_mem>>
      %dma_start3A_216 = arith.constant 0 : i32
      %dma_start3A_217 = arith.constant 0 : i32
      %dma_start3A_218 = tpu.memref_slice %arg11[%run_scoped3A, %dma_start3A_216, %dma_start3A_217] : memref<4x64x128xf32, #tpu.memory_space<vmem>> -> memref<1x64x128xf32, #tpu.memory_space<vmem>>
      %dma_start3A_219 = tpu.memref_squeeze %dma_start3A_218 : memref<1x64x128xf32, #tpu.memory_space<vmem>> -> memref<64x128xf32, #tpu.memory_space<vmem>>
      %dma_start3A_220 = arith.constant 0 : i32
      %dma_start3A_221 = tpu.memref_slice %arg10[%run_scoped3A_122, %dma_start3A_220] : memref<4x64xi32, #tpu.memory_space<vmem>> -> memref<1x64xi32, #tpu.memory_space<vmem>>
      %dma_start3A_222 = tpu.memref_squeeze %dma_start3A_221 : memref<1x64xi32, #tpu.memory_space<vmem>> -> memref<64xi32, #tpu.memory_space<vmem>>
      %dma_start3A_223 = arith.constant 0 : i32
      %dma_start3A_224 = arith.constant 0 : i32
      %dma_start3A_225 = tpu.memref_slice %arg13[%dma_start3A_223, %dma_start3A_224] : memref<10240x128xf32, #tpu.memory_space<vmem_shared>> -> memref<10240x128xf32, #tpu.memory_space<vmem_shared>>
      tpu.enqueue_indirect_dma source(%dma_start3A_219 : memref<64x128xf32, #tpu.memory_space<vmem>>) target(%dma_start3A_225 : memref<10240x128xf32, #tpu.memory_space<vmem_shared>>) offsets(%dma_start3A_222 : memref<64xi32, #tpu.memory_space<vmem>>) semaphore(%run_scoped3A_215 : memref<!tpu.dma_semaphore, #tpu.memory_space<semaphore_mem>>) {add = true}
      %dma_wait3A_226 = arith.constant 0 : i32
      %dma_wait3A_227 = arith.constant 0 : i32
      %dma_wait3A_228 = tpu.memref_slice %arg11[%run_scoped3A, %dma_wait3A_226, %dma_wait3A_227] : memref<4x64x128xf32, #tpu.memory_space<vmem>> -> memref<1x64x128xf32, #tpu.memory_space<vmem>>
      %dma_wait3A_229 = tpu.memref_squeeze %dma_wait3A_228 : memref<1x64x128xf32, #tpu.memory_space<vmem>> -> memref<64x128xf32, #tpu.memory_space<vmem>>
      %dma_wait3A_230 = arith.constant 0 : i32
      %dma_wait3A_231 = tpu.memref_slice %arg10[%run_scoped3A_122, %dma_wait3A_230] : memref<4x64xi32, #tpu.memory_space<vmem>> -> memref<1x64xi32, #tpu.memory_space<vmem>>
      %dma_wait3A_232 = tpu.memref_squeeze %dma_wait3A_231 : memref<1x64xi32, #tpu.memory_space<vmem>> -> memref<64xi32, #tpu.memory_space<vmem>>
      %dma_wait3A_233 = arith.constant 0 : i32
      %dma_wait3A_234 = arith.constant 0 : i32
      %dma_wait3A_235 = tpu.memref_slice %arg13[%dma_wait3A_233, %dma_wait3A_234] : memref<10240x128xf32, #tpu.memory_space<vmem_shared>> -> memref<10240x128xf32, #tpu.memory_space<vmem_shared>>
      tpu.wait_indirect_dma semaphore(%run_scoped3A_215 : memref<!tpu.dma_semaphore, #tpu.memory_space<semaphore_mem>>) src(%dma_wait3A_229 : memref<64x128xf32, #tpu.memory_space<vmem>>) dst(%dma_wait3A_235 : memref<10240x128xf32, #tpu.memory_space<vmem_shared>>)
      tpu.yield
    }) : () -> ()
    %run_scoped3A_123 = arith.constant 0 : i32
    "tpu.region"() ({
      %run_scoped3A_215 = tpu.sem_alloc : memref<!tpu.dma_semaphore, #tpu.memory_space<semaphore_mem>>
      %dma_start3A_216 = arith.constant 0 : i32
      %dma_start3A_217 = tpu.memref_slice %arg10[%run_scoped3A_123, %dma_start3A_216] : memref<4x64xi32, #tpu.memory_space<vmem>> -> memref<1x64xi32, #tpu.memory_space<vmem>>
      %dma_start3A_218 = tpu.memref_squeeze %dma_start3A_217 : memref<1x64xi32, #tpu.memory_space<vmem>> -> memref<64xi32, #tpu.memory_space<vmem>>
      %dma_start3A_219 = arith.constant 0 : i32
      %dma_start3A_220 = tpu.memref_slice %arg14[%dma_start3A_219] : memref<10240xf32, #tpu.memory_space<vmem_shared>> -> memref<10240xf32, #tpu.memory_space<vmem_shared>>
      tpu.enqueue_indirect_dma source(%arg12 : memref<64xf32, #tpu.memory_space<vmem>>) target(%dma_start3A_220 : memref<10240xf32, #tpu.memory_space<vmem_shared>>) offsets(%dma_start3A_218 : memref<64xi32, #tpu.memory_space<vmem>>) semaphore(%run_scoped3A_215 : memref<!tpu.dma_semaphore, #tpu.memory_space<semaphore_mem>>) {add = true}
      %dma_wait3A_221 = arith.constant 0 : i32
      %dma_wait3A_222 = tpu.memref_slice %arg10[%run_scoped3A_123, %dma_wait3A_221] : memref<4x64xi32, #tpu.memory_space<vmem>> -> memref<1x64xi32, #tpu.memory_space<vmem>>
      %dma_wait3A_223 = tpu.memref_squeeze %dma_wait3A_222 : memref<1x64xi32, #tpu.memory_space<vmem>> -> memref<64xi32, #tpu.memory_space<vmem>>
      %dma_wait3A_224 = arith.constant 0 : i32
      %dma_wait3A_225 = tpu.memref_slice %arg14[%dma_wait3A_224] : memref<10240xf32, #tpu.memory_space<vmem_shared>> -> memref<10240xf32, #tpu.memory_space<vmem_shared>>
      tpu.wait_indirect_dma semaphore(%run_scoped3A_215 : memref<!tpu.dma_semaphore, #tpu.memory_space<semaphore_mem>>) src(%arg12 : memref<64xf32, #tpu.memory_space<vmem>>) dst(%dma_wait3A_225 : memref<10240xf32, #tpu.memory_space<vmem_shared>>)
      tpu.yield
    }) : () -> ()
    %scan3A_124 = arith.constant 0 : i32
    %scan3A_125 = arith.constant 1 : i32
    %scan3A_126 = arith.constant 39 : i32
    %scan3A_127 = arith.addi %scan3A_125, %scan3A_126 : i32
    %scan3A_128 = arith.constant 1 : i32
    scf.for %scan3A_215 = %scan3A_125 to %scan3A_127 step %scan3A_128  : i32 {
      %mul3A_216 = arith.constant 4 : i32
      %mul3A_217 = arith.muli %mul3A_216, %scan3A_215 : i32
      %add3A_218 = arith.constant 0 : i32
      %add3A_219 = arith.addi %mul3A_217, %add3A_218 : i32
      %add3A_220 = arith.constant 163840 : i32
      %add3A_221 = arith.addi %add3A_220, %mul3A_4 : i32
      %mul3A_222 = arith.constant 64 : i32
      %mul3A_223 = arith.muli %add3A_219, %mul3A_222 : i32
      %add3A_224 = arith.addi %add3A_221, %mul3A_223 : i32
      %dma_start3A_225 = arith.constant 0 : i32
      %dma_start3A_226 = arith.constant 0 : i32
      %dma_start3A_227 = tpu.memref_slice %arg10[%dma_start3A_225, %dma_start3A_226] : memref<4x64xi32, #tpu.memory_space<vmem>> -> memref<1x64xi32, #tpu.memory_space<vmem>>
      %dma_start3A_228 = tpu.memref_squeeze %dma_start3A_227 : memref<1x64xi32, #tpu.memory_space<vmem>> -> memref<64xi32, #tpu.memory_space<vmem>>
      %dma_start3A_229 = tpu.memref_slice %arg3[%add3A_224] : memref<327680xi32, #tpu.memory_space<hbm>> -> memref<64xi32, #tpu.memory_space<hbm>>
      %dma_start3A_230 = arith.constant 0 : i32
      %dma_start3A_231 = tpu.memref_slice %arg10[%dma_start3A_225, %dma_start3A_230] : memref<4x64xi32, #tpu.memory_space<vmem>> -> memref<1x64xi32, #tpu.memory_space<vmem>>
      %dma_start3A_232 = tpu.memref_squeeze %dma_start3A_231 : memref<1x64xi32, #tpu.memory_space<vmem>> -> memref<64xi32, #tpu.memory_space<vmem>>
      %dma_start3A_233 = tpu.memref_slice %arg3[%add3A_224] : memref<327680xi32, #tpu.memory_space<hbm>> -> memref<64xi32, #tpu.memory_space<hbm>>
      tpu.enqueue_dma source(%dma_start3A_233 : memref<64xi32, #tpu.memory_space<hbm>>) target(%dma_start3A_232 : memref<64xi32, #tpu.memory_space<vmem>>) target_semaphore(%arg19 : memref<!tpu.dma_semaphore, #tpu.memory_space<semaphore_mem>>)
      %mul3A_234 = arith.constant 64 : i32
      %mul3A_235 = arith.muli %add3A_219, %mul3A_234 : i32
      %dma_start3A_236 = arith.constant 0 : i32
      %dma_start3A_237 = arith.constant 0 : i32
      %dma_start3A_238 = arith.constant 0 : i32
      %dma_start3A_239 = tpu.memref_slice %arg11[%dma_start3A_236, %dma_start3A_237, %dma_start3A_238] : memref<4x64x128xf32, #tpu.memory_space<vmem>> -> memref<1x64x128xf32, #tpu.memory_space<vmem>>
      %dma_start3A_240 = tpu.memref_squeeze %dma_start3A_239 : memref<1x64x128xf32, #tpu.memory_space<vmem>> -> memref<64x128xf32, #tpu.memory_space<vmem>>
      %dma_start3A_241 = tpu.memref_slice %arg9[%mul3A_235] : memref<10240xi32, #tpu.memory_space<vmem>> -> memref<64xi32, #tpu.memory_space<vmem>>
      %dma_start3A_242 = arith.constant 0 : i32
      %dma_start3A_243 = arith.constant 0 : i32
      %dma_start3A_244 = tpu.memref_slice %arg2[%dma_start3A_242, %dma_start3A_243] : memref<20000x128xf32, #tpu.memory_space<hbm>> -> memref<20000x128xf32, #tpu.memory_space<hbm>>
      tpu.enqueue_indirect_dma source(%dma_start3A_244 : memref<20000x128xf32, #tpu.memory_space<hbm>>) target(%dma_start3A_240 : memref<64x128xf32, #tpu.memory_space<vmem>>) offsets(%dma_start3A_241 : memref<64xi32, #tpu.memory_space<vmem>>) semaphore(%arg15 : memref<!tpu.dma_semaphore, #tpu.memory_space<semaphore_mem>>)
      %sub3A = arith.constant 3 : i32
      %sub3A_245 = arith.subi %add3A_219, %sub3A : i32
      %mul3A_246 = arith.constant 64 : i32
      %mul3A_247 = arith.muli %sub3A_245, %mul3A_246 : i32
      %dma_wait3A_248 = arith.constant 1 : i32
      %dma_wait3A_249 = arith.constant 0 : i32
      %dma_wait3A_250 = arith.constant 0 : i32
      %dma_wait3A_251 = tpu.memref_slice %arg11[%dma_wait3A_248, %dma_wait3A_249, %dma_wait3A_250] : memref<4x64x128xf32, #tpu.memory_space<vmem>> -> memref<1x64x128xf32, #tpu.memory_space<vmem>>
      %dma_wait3A_252 = tpu.memref_squeeze %dma_wait3A_251 : memref<1x64x128xf32, #tpu.memory_space<vmem>> -> memref<64x128xf32, #tpu.memory_space<vmem>>
      %dma_wait3A_253 = tpu.memref_slice %arg9[%mul3A_247] : memref<10240xi32, #tpu.memory_space<vmem>> -> memref<64xi32, #tpu.memory_space<vmem>>
      %dma_wait3A_254 = arith.constant 0 : i32
      %dma_wait3A_255 = arith.constant 0 : i32
      %dma_wait3A_256 = tpu.memref_slice %arg2[%dma_wait3A_254, %dma_wait3A_255] : memref<20000x128xf32, #tpu.memory_space<hbm>> -> memref<20000x128xf32, #tpu.memory_space<hbm>>
      tpu.wait_indirect_dma semaphore(%arg16 : memref<!tpu.dma_semaphore, #tpu.memory_space<semaphore_mem>>) src(%dma_wait3A_256 : memref<20000x128xf32, #tpu.memory_space<hbm>>) dst(%dma_wait3A_252 : memref<64x128xf32, #tpu.memory_space<vmem>>)
      %add3A_257 = arith.constant 163840 : i32
      %add3A_258 = arith.addi %add3A_257, %mul3A_4 : i32
      %mul3A_259 = arith.constant 64 : i32
      %mul3A_260 = arith.muli %sub3A_245, %mul3A_259 : i32
      %add3A_261 = arith.addi %add3A_258, %mul3A_260 : i32
      %dma_wait3A_262 = arith.constant 1 : i32
      %dma_wait3A_263 = arith.constant 0 : i32
      %dma_wait3A_264 = tpu.memref_slice %arg10[%dma_wait3A_262, %dma_wait3A_263] : memref<4x64xi32, #tpu.memory_space<vmem>> -> memref<1x64xi32, #tpu.memory_space<vmem>>
      %dma_wait3A_265 = tpu.memref_squeeze %dma_wait3A_264 : memref<1x64xi32, #tpu.memory_space<vmem>> -> memref<64xi32, #tpu.memory_space<vmem>>
      %dma_wait3A_266 = tpu.memref_slice %arg3[%add3A_261] : memref<327680xi32, #tpu.memory_space<hbm>> -> memref<64xi32, #tpu.memory_space<hbm>>
      %dma_wait3A_267 = arith.constant 0 : i32
      %dma_wait3A_268 = tpu.memref_slice %arg10[%dma_wait3A_262, %dma_wait3A_267] : memref<4x64xi32, #tpu.memory_space<vmem>> -> memref<1x64xi32, #tpu.memory_space<vmem>>
      %dma_wait3A_269 = tpu.memref_squeeze %dma_wait3A_268 : memref<1x64xi32, #tpu.memory_space<vmem>> -> memref<64xi32, #tpu.memory_space<vmem>>
      %dma_wait3A_270 = tpu.memref_slice %arg3[%add3A_261] : memref<327680xi32, #tpu.memory_space<hbm>> -> memref<64xi32, #tpu.memory_space<hbm>>
      tpu.wait_dma2 semaphore(%arg20 : memref<!tpu.dma_semaphore, #tpu.memory_space<semaphore_mem>>) src(%dma_wait3A_270 : memref<64xi32, #tpu.memory_space<hbm>>) dst(%dma_wait3A_269 : memref<64xi32, #tpu.memory_space<vmem>>)
      %run_scoped3A_271 = arith.constant 1 : i32
      %run_scoped3A_272 = arith.constant 1 : i32
      "tpu.region"() ({
        %run_scoped3A_451 = tpu.sem_alloc : memref<!tpu.dma_semaphore, #tpu.memory_space<semaphore_mem>>
        %dma_start3A_452 = arith.constant 0 : i32
        %dma_start3A_453 = arith.constant 0 : i32
        %dma_start3A_454 = tpu.memref_slice %arg11[%run_scoped3A_271, %dma_start3A_452, %dma_start3A_453] : memref<4x64x128xf32, #tpu.memory_space<vmem>> -> memref<1x64x128xf32, #tpu.memory_space<vmem>>
        %dma_start3A_455 = tpu.memref_squeeze %dma_start3A_454 : memref<1x64x128xf32, #tpu.memory_space<vmem>> -> memref<64x128xf32, #tpu.memory_space<vmem>>
        %dma_start3A_456 = arith.constant 0 : i32
        %dma_start3A_457 = tpu.memref_slice %arg10[%run_scoped3A_272, %dma_start3A_456] : memref<4x64xi32, #tpu.memory_space<vmem>> -> memref<1x64xi32, #tpu.memory_space<vmem>>
        %dma_start3A_458 = tpu.memref_squeeze %dma_start3A_457 : memref<1x64xi32, #tpu.memory_space<vmem>> -> memref<64xi32, #tpu.memory_space<vmem>>
        %dma_start3A_459 = arith.constant 0 : i32
        %dma_start3A_460 = arith.constant 0 : i32
        %dma_start3A_461 = tpu.memref_slice %arg13[%dma_start3A_459, %dma_start3A_460] : memref<10240x128xf32, #tpu.memory_space<vmem_shared>> -> memref<10240x128xf32, #tpu.memory_space<vmem_shared>>
        tpu.enqueue_indirect_dma source(%dma_start3A_455 : memref<64x128xf32, #tpu.memory_space<vmem>>) target(%dma_start3A_461 : memref<10240x128xf32, #tpu.memory_space<vmem_shared>>) offsets(%dma_start3A_458 : memref<64xi32, #tpu.memory_space<vmem>>) semaphore(%run_scoped3A_451 : memref<!tpu.dma_semaphore, #tpu.memory_space<semaphore_mem>>) {add = true}
        %dma_wait3A_462 = arith.constant 0 : i32
        %dma_wait3A_463 = arith.constant 0 : i32
        %dma_wait3A_464 = tpu.memref_slice %arg11[%run_scoped3A_271, %dma_wait3A_462, %dma_wait3A_463] : memref<4x64x128xf32, #tpu.memory_space<vmem>> -> memref<1x64x128xf32, #tpu.memory_space<vmem>>
        %dma_wait3A_465 = tpu.memref_squeeze %dma_wait3A_464 : memref<1x64x128xf32, #tpu.memory_space<vmem>> -> memref<64x128xf32, #tpu.memory_space<vmem>>
        %dma_wait3A_466 = arith.constant 0 : i32
        %dma_wait3A_467 = tpu.memref_slice %arg10[%run_scoped3A_272, %dma_wait3A_466] : memref<4x64xi32, #tpu.memory_space<vmem>> -> memref<1x64xi32, #tpu.memory_space<vmem>>
        %dma_wait3A_468 = tpu.memref_squeeze %dma_wait3A_467 : memref<1x64xi32, #tpu.memory_space<vmem>> -> memref<64xi32, #tpu.memory_space<vmem>>
        %dma_wait3A_469 = arith.constant 0 : i32
        %dma_wait3A_470 = arith.constant 0 : i32
        %dma_wait3A_471 = tpu.memref_slice %arg13[%dma_wait3A_469, %dma_wait3A_470] : memref<10240x128xf32, #tpu.memory_space<vmem_shared>> -> memref<10240x128xf32, #tpu.memory_space<vmem_shared>>
        tpu.wait_indirect_dma semaphore(%run_scoped3A_451 : memref<!tpu.dma_semaphore, #tpu.memory_space<semaphore_mem>>) src(%dma_wait3A_465 : memref<64x128xf32, #tpu.memory_space<vmem>>) dst(%dma_wait3A_471 : memref<10240x128xf32, #tpu.memory_space<vmem_shared>>)
        tpu.yield
      }) : () -> ()
      %run_scoped3A_273 = arith.constant 1 : i32
      "tpu.region"() ({
        %run_scoped3A_451 = tpu.sem_alloc : memref<!tpu.dma_semaphore, #tpu.memory_space<semaphore_mem>>
        %dma_start3A_452 = arith.constant 0 : i32
        %dma_start3A_453 = tpu.memref_slice %arg10[%run_scoped3A_273, %dma_start3A_452] : memref<4x64xi32, #tpu.memory_space<vmem>> -> memref<1x64xi32, #tpu.memory_space<vmem>>
        %dma_start3A_454 = tpu.memref_squeeze %dma_start3A_453 : memref<1x64xi32, #tpu.memory_space<vmem>> -> memref<64xi32, #tpu.memory_space<vmem>>
        %dma_start3A_455 = arith.constant 0 : i32
        %dma_start3A_456 = tpu.memref_slice %arg14[%dma_start3A_455] : memref<10240xf32, #tpu.memory_space<vmem_shared>> -> memref<10240xf32, #tpu.memory_space<vmem_shared>>
        tpu.enqueue_indirect_dma source(%arg12 : memref<64xf32, #tpu.memory_space<vmem>>) target(%dma_start3A_456 : memref<10240xf32, #tpu.memory_space<vmem_shared>>) offsets(%dma_start3A_454 : memref<64xi32, #tpu.memory_space<vmem>>) semaphore(%run_scoped3A_451 : memref<!tpu.dma_semaphore, #tpu.memory_space<semaphore_mem>>) {add = true}
        %dma_wait3A_457 = arith.constant 0 : i32
        %dma_wait3A_458 = tpu.memref_slice %arg10[%run_scoped3A_273, %dma_wait3A_457] : memref<4x64xi32, #tpu.memory_space<vmem>> -> memref<1x64xi32, #tpu.memory_space<vmem>>
        %dma_wait3A_459 = tpu.memref_squeeze %dma_wait3A_458 : memref<1x64xi32, #tpu.memory_space<vmem>> -> memref<64xi32, #tpu.memory_space<vmem>>
        %dma_wait3A_460 = arith.constant 0 : i32
        %dma_wait3A_461 = tpu.memref_slice %arg14[%dma_wait3A_460] : memref<10240xf32, #tpu.memory_space<vmem_shared>> -> memref<10240xf32, #tpu.memory_space<vmem_shared>>
        tpu.wait_indirect_dma semaphore(%run_scoped3A_451 : memref<!tpu.dma_semaphore, #tpu.memory_space<semaphore_mem>>) src(%arg12 : memref<64xf32, #tpu.memory_space<vmem>>) dst(%dma_wait3A_461 : memref<10240xf32, #tpu.memory_space<vmem_shared>>)
        tpu.yield
      }) : () -> ()
      %mul3A_274 = arith.constant 4 : i32
      %mul3A_275 = arith.muli %mul3A_274, %scan3A_215 : i32
      %add3A_276 = arith.constant 1 : i32
      %add3A_277 = arith.addi %mul3A_275, %add3A_276 : i32
      %add3A_278 = arith.constant 163840 : i32
      %add3A_279 = arith.addi %add3A_278, %mul3A_4 : i32
      %mul3A_280 = arith.constant 64 : i32
      %mul3A_281 = arith.muli %add3A_277, %mul3A_280 : i32
      %add3A_282 = arith.addi %add3A_279, %mul3A_281 : i32
      %dma_start3A_283 = arith.constant 1 : i32
      %dma_start3A_284 = arith.constant 0 : i32
      %dma_start3A_285 = tpu.memref_slice %arg10[%dma_start3A_283, %dma_start3A_284] : memref<4x64xi32, #tpu.memory_space<vmem>> -> memref<1x64xi32, #tpu.memory_space<vmem>>
      %dma_start3A_286 = tpu.memref_squeeze %dma_start3A_285 : memref<1x64xi32, #tpu.memory_space<vmem>> -> memref<64xi32, #tpu.memory_space<vmem>>
      %dma_start3A_287 = tpu.memref_slice %arg3[%add3A_282] : memref<327680xi32, #tpu.memory_space<hbm>> -> memref<64xi32, #tpu.memory_space<hbm>>
      %dma_start3A_288 = arith.constant 0 : i32
      %dma_start3A_289 = tpu.memref_slice %arg10[%dma_start3A_283, %dma_start3A_288] : memref<4x64xi32, #tpu.memory_space<vmem>> -> memref<1x64xi32, #tpu.memory_space<vmem>>
      %dma_start3A_290 = tpu.memref_squeeze %dma_start3A_289 : memref<1x64xi32, #tpu.memory_space<vmem>> -> memref<64xi32, #tpu.memory_space<vmem>>
      %dma_start3A_291 = tpu.memref_slice %arg3[%add3A_282] : memref<327680xi32, #tpu.memory_space<hbm>> -> memref<64xi32, #tpu.memory_space<hbm>>
      tpu.enqueue_dma source(%dma_start3A_291 : memref<64xi32, #tpu.memory_space<hbm>>) target(%dma_start3A_290 : memref<64xi32, #tpu.memory_space<vmem>>) target_semaphore(%arg20 : memref<!tpu.dma_semaphore, #tpu.memory_space<semaphore_mem>>)
      %mul3A_292 = arith.constant 64 : i32
      %mul3A_293 = arith.muli %add3A_277, %mul3A_292 : i32
      %dma_start3A_294 = arith.constant 1 : i32
      %dma_start3A_295 = arith.constant 0 : i32
      %dma_start3A_296 = arith.constant 0 : i32
      %dma_start3A_297 = tpu.memref_slice %arg11[%dma_start3A_294, %dma_start3A_295, %dma_start3A_296] : memref<4x64x128xf32, #tpu.memory_space<vmem>> -> memref<1x64x128xf32, #tpu.memory_space<vmem>>
      %dma_start3A_298 = tpu.memref_squeeze %dma_start3A_297 : memref<1x64x128xf32, #tpu.memory_space<vmem>> -> memref<64x128xf32, #tpu.memory_space<vmem>>
      %dma_start3A_299 = tpu.memref_slice %arg9[%mul3A_293] : memref<10240xi32, #tpu.memory_space<vmem>> -> memref<64xi32, #tpu.memory_space<vmem>>
      %dma_start3A_300 = arith.constant 0 : i32
      %dma_start3A_301 = arith.constant 0 : i32
      %dma_start3A_302 = tpu.memref_slice %arg2[%dma_start3A_300, %dma_start3A_301] : memref<20000x128xf32, #tpu.memory_space<hbm>> -> memref<20000x128xf32, #tpu.memory_space<hbm>>
      tpu.enqueue_indirect_dma source(%dma_start3A_302 : memref<20000x128xf32, #tpu.memory_space<hbm>>) target(%dma_start3A_298 : memref<64x128xf32, #tpu.memory_space<vmem>>) offsets(%dma_start3A_299 : memref<64xi32, #tpu.memory_space<vmem>>) semaphore(%arg16 : memref<!tpu.dma_semaphore, #tpu.memory_space<semaphore_mem>>)
      %sub3A_303 = arith.constant 3 : i32
      %sub3A_304 = arith.subi %add3A_277, %sub3A_303 : i32
      %mul3A_305 = arith.constant 64 : i32
      %mul3A_306 = arith.muli %sub3A_304, %mul3A_305 : i32
      %dma_wait3A_307 = arith.constant 2 : i32
      %dma_wait3A_308 = arith.constant 0 : i32
      %dma_wait3A_309 = arith.constant 0 : i32
      %dma_wait3A_310 = tpu.memref_slice %arg11[%dma_wait3A_307, %dma_wait3A_308, %dma_wait3A_309] : memref<4x64x128xf32, #tpu.memory_space<vmem>> -> memref<1x64x128xf32, #tpu.memory_space<vmem>>
      %dma_wait3A_311 = tpu.memref_squeeze %dma_wait3A_310 : memref<1x64x128xf32, #tpu.memory_space<vmem>> -> memref<64x128xf32, #tpu.memory_space<vmem>>
      %dma_wait3A_312 = tpu.memref_slice %arg9[%mul3A_306] : memref<10240xi32, #tpu.memory_space<vmem>> -> memref<64xi32, #tpu.memory_space<vmem>>
      %dma_wait3A_313 = arith.constant 0 : i32
      %dma_wait3A_314 = arith.constant 0 : i32
      %dma_wait3A_315 = tpu.memref_slice %arg2[%dma_wait3A_313, %dma_wait3A_314] : memref<20000x128xf32, #tpu.memory_space<hbm>> -> memref<20000x128xf32, #tpu.memory_space<hbm>>
      tpu.wait_indirect_dma semaphore(%arg17 : memref<!tpu.dma_semaphore, #tpu.memory_space<semaphore_mem>>) src(%dma_wait3A_315 : memref<20000x128xf32, #tpu.memory_space<hbm>>) dst(%dma_wait3A_311 : memref<64x128xf32, #tpu.memory_space<vmem>>)
      %add3A_316 = arith.constant 163840 : i32
      %add3A_317 = arith.addi %add3A_316, %mul3A_4 : i32
      %mul3A_318 = arith.constant 64 : i32
      %mul3A_319 = arith.muli %sub3A_304, %mul3A_318 : i32
      %add3A_320 = arith.addi %add3A_317, %mul3A_319 : i32
      %dma_wait3A_321 = arith.constant 2 : i32
      %dma_wait3A_322 = arith.constant 0 : i32
      %dma_wait3A_323 = tpu.memref_slice %arg10[%dma_wait3A_321, %dma_wait3A_322] : memref<4x64xi32, #tpu.memory_space<vmem>> -> memref<1x64xi32, #tpu.memory_space<vmem>>
      %dma_wait3A_324 = tpu.memref_squeeze %dma_wait3A_323 : memref<1x64xi32, #tpu.memory_space<vmem>> -> memref<64xi32, #tpu.memory_space<vmem>>
      %dma_wait3A_325 = tpu.memref_slice %arg3[%add3A_320] : memref<327680xi32, #tpu.memory_space<hbm>> -> memref<64xi32, #tpu.memory_space<hbm>>
      %dma_wait3A_326 = arith.constant 0 : i32
      %dma_wait3A_327 = tpu.memref_slice %arg10[%dma_wait3A_321, %dma_wait3A_326] : memref<4x64xi32, #tpu.memory_space<vmem>> -> memref<1x64xi32, #tpu.memory_space<vmem>>
      %dma_wait3A_328 = tpu.memref_squeeze %dma_wait3A_327 : memref<1x64xi32, #tpu.memory_space<vmem>> -> memref<64xi32, #tpu.memory_space<vmem>>
      %dma_wait3A_329 = tpu.memref_slice %arg3[%add3A_320] : memref<327680xi32, #tpu.memory_space<hbm>> -> memref<64xi32, #tpu.memory_space<hbm>>
      tpu.wait_dma2 semaphore(%arg21 : memref<!tpu.dma_semaphore, #tpu.memory_space<semaphore_mem>>) src(%dma_wait3A_329 : memref<64xi32, #tpu.memory_space<hbm>>) dst(%dma_wait3A_328 : memref<64xi32, #tpu.memory_space<vmem>>)
      %run_scoped3A_330 = arith.constant 2 : i32
      %run_scoped3A_331 = arith.constant 2 : i32
      "tpu.region"() ({
        %run_scoped3A_451 = tpu.sem_alloc : memref<!tpu.dma_semaphore, #tpu.memory_space<semaphore_mem>>
        %dma_start3A_452 = arith.constant 0 : i32
        %dma_start3A_453 = arith.constant 0 : i32
        %dma_start3A_454 = tpu.memref_slice %arg11[%run_scoped3A_330, %dma_start3A_452, %dma_start3A_453] : memref<4x64x128xf32, #tpu.memory_space<vmem>> -> memref<1x64x128xf32, #tpu.memory_space<vmem>>
        %dma_start3A_455 = tpu.memref_squeeze %dma_start3A_454 : memref<1x64x128xf32, #tpu.memory_space<vmem>> -> memref<64x128xf32, #tpu.memory_space<vmem>>
        %dma_start3A_456 = arith.constant 0 : i32
        %dma_start3A_457 = tpu.memref_slice %arg10[%run_scoped3A_331, %dma_start3A_456] : memref<4x64xi32, #tpu.memory_space<vmem>> -> memref<1x64xi32, #tpu.memory_space<vmem>>
        %dma_start3A_458 = tpu.memref_squeeze %dma_start3A_457 : memref<1x64xi32, #tpu.memory_space<vmem>> -> memref<64xi32, #tpu.memory_space<vmem>>
        %dma_start3A_459 = arith.constant 0 : i32
        %dma_start3A_460 = arith.constant 0 : i32
        %dma_start3A_461 = tpu.memref_slice %arg13[%dma_start3A_459, %dma_start3A_460] : memref<10240x128xf32, #tpu.memory_space<vmem_shared>> -> memref<10240x128xf32, #tpu.memory_space<vmem_shared>>
        tpu.enqueue_indirect_dma source(%dma_start3A_455 : memref<64x128xf32, #tpu.memory_space<vmem>>) target(%dma_start3A_461 : memref<10240x128xf32, #tpu.memory_space<vmem_shared>>) offsets(%dma_start3A_458 : memref<64xi32, #tpu.memory_space<vmem>>) semaphore(%run_scoped3A_451 : memref<!tpu.dma_semaphore, #tpu.memory_space<semaphore_mem>>) {add = true}
        %dma_wait3A_462 = arith.constant 0 : i32
        %dma_wait3A_463 = arith.constant 0 : i32
        %dma_wait3A_464 = tpu.memref_slice %arg11[%run_scoped3A_330, %dma_wait3A_462, %dma_wait3A_463] : memref<4x64x128xf32, #tpu.memory_space<vmem>> -> memref<1x64x128xf32, #tpu.memory_space<vmem>>
        %dma_wait3A_465 = tpu.memref_squeeze %dma_wait3A_464 : memref<1x64x128xf32, #tpu.memory_space<vmem>> -> memref<64x128xf32, #tpu.memory_space<vmem>>
        %dma_wait3A_466 = arith.constant 0 : i32
        %dma_wait3A_467 = tpu.memref_slice %arg10[%run_scoped3A_331, %dma_wait3A_466] : memref<4x64xi32, #tpu.memory_space<vmem>> -> memref<1x64xi32, #tpu.memory_space<vmem>>
        %dma_wait3A_468 = tpu.memref_squeeze %dma_wait3A_467 : memref<1x64xi32, #tpu.memory_space<vmem>> -> memref<64xi32, #tpu.memory_space<vmem>>
        %dma_wait3A_469 = arith.constant 0 : i32
        %dma_wait3A_470 = arith.constant 0 : i32
        %dma_wait3A_471 = tpu.memref_slice %arg13[%dma_wait3A_469, %dma_wait3A_470] : memref<10240x128xf32, #tpu.memory_space<vmem_shared>> -> memref<10240x128xf32, #tpu.memory_space<vmem_shared>>
        tpu.wait_indirect_dma semaphore(%run_scoped3A_451 : memref<!tpu.dma_semaphore, #tpu.memory_space<semaphore_mem>>) src(%dma_wait3A_465 : memref<64x128xf32, #tpu.memory_space<vmem>>) dst(%dma_wait3A_471 : memref<10240x128xf32, #tpu.memory_space<vmem_shared>>)
        tpu.yield
      }) : () -> ()
      %run_scoped3A_332 = arith.constant 2 : i32
      "tpu.region"() ({
        %run_scoped3A_451 = tpu.sem_alloc : memref<!tpu.dma_semaphore, #tpu.memory_space<semaphore_mem>>
        %dma_start3A_452 = arith.constant 0 : i32
        %dma_start3A_453 = tpu.memref_slice %arg10[%run_scoped3A_332, %dma_start3A_452] : memref<4x64xi32, #tpu.memory_space<vmem>> -> memref<1x64xi32, #tpu.memory_space<vmem>>
        %dma_start3A_454 = tpu.memref_squeeze %dma_start3A_453 : memref<1x64xi32, #tpu.memory_space<vmem>> -> memref<64xi32, #tpu.memory_space<vmem>>
        %dma_start3A_455 = arith.constant 0 : i32
        %dma_start3A_456 = tpu.memref_slice %arg14[%dma_start3A_455] : memref<10240xf32, #tpu.memory_space<vmem_shared>> -> memref<10240xf32, #tpu.memory_space<vmem_shared>>
        tpu.enqueue_indirect_dma source(%arg12 : memref<64xf32, #tpu.memory_space<vmem>>) target(%dma_start3A_456 : memref<10240xf32, #tpu.memory_space<vmem_shared>>) offsets(%dma_start3A_454 : memref<64xi32, #tpu.memory_space<vmem>>) semaphore(%run_scoped3A_451 : memref<!tpu.dma_semaphore, #tpu.memory_space<semaphore_mem>>) {add = true}
        %dma_wait3A_457 = arith.constant 0 : i32
        %dma_wait3A_458 = tpu.memref_slice %arg10[%run_scoped3A_332, %dma_wait3A_457] : memref<4x64xi32, #tpu.memory_space<vmem>> -> memref<1x64xi32, #tpu.memory_space<vmem>>
        %dma_wait3A_459 = tpu.memref_squeeze %dma_wait3A_458 : memref<1x64xi32, #tpu.memory_space<vmem>> -> memref<64xi32, #tpu.memory_space<vmem>>
        %dma_wait3A_460 = arith.constant 0 : i32
        %dma_wait3A_461 = tpu.memref_slice %arg14[%dma_wait3A_460] : memref<10240xf32, #tpu.memory_space<vmem_shared>> -> memref<10240xf32, #tpu.memory_space<vmem_shared>>
        tpu.wait_indirect_dma semaphore(%run_scoped3A_451 : memref<!tpu.dma_semaphore, #tpu.memory_space<semaphore_mem>>) src(%arg12 : memref<64xf32, #tpu.memory_space<vmem>>) dst(%dma_wait3A_461 : memref<10240xf32, #tpu.memory_space<vmem_shared>>)
        tpu.yield
      }) : () -> ()
      %mul3A_333 = arith.constant 4 : i32
      %mul3A_334 = arith.muli %mul3A_333, %scan3A_215 : i32
      %add3A_335 = arith.constant 2 : i32
      %add3A_336 = arith.addi %mul3A_334, %add3A_335 : i32
      %add3A_337 = arith.constant 163840 : i32
      %add3A_338 = arith.addi %add3A_337, %mul3A_4 : i32
      %mul3A_339 = arith.constant 64 : i32
      %mul3A_340 = arith.muli %add3A_336, %mul3A_339 : i32
      %add3A_341 = arith.addi %add3A_338, %mul3A_340 : i32
      %dma_start3A_342 = arith.constant 2 : i32
      %dma_start3A_343 = arith.constant 0 : i32
      %dma_start3A_344 = tpu.memref_slice %arg10[%dma_start3A_342, %dma_start3A_343] : memref<4x64xi32, #tpu.memory_space<vmem>> -> memref<1x64xi32, #tpu.memory_space<vmem>>
      %dma_start3A_345 = tpu.memref_squeeze %dma_start3A_344 : memref<1x64xi32, #tpu.memory_space<vmem>> -> memref<64xi32, #tpu.memory_space<vmem>>
      %dma_start3A_346 = tpu.memref_slice %arg3[%add3A_341] : memref<327680xi32, #tpu.memory_space<hbm>> -> memref<64xi32, #tpu.memory_space<hbm>>
      %dma_start3A_347 = arith.constant 0 : i32
      %dma_start3A_348 = tpu.memref_slice %arg10[%dma_start3A_342, %dma_start3A_347] : memref<4x64xi32, #tpu.memory_space<vmem>> -> memref<1x64xi32, #tpu.memory_space<vmem>>
      %dma_start3A_349 = tpu.memref_squeeze %dma_start3A_348 : memref<1x64xi32, #tpu.memory_space<vmem>> -> memref<64xi32, #tpu.memory_space<vmem>>
      %dma_start3A_350 = tpu.memref_slice %arg3[%add3A_341] : memref<327680xi32, #tpu.memory_space<hbm>> -> memref<64xi32, #tpu.memory_space<hbm>>
      tpu.enqueue_dma source(%dma_start3A_350 : memref<64xi32, #tpu.memory_space<hbm>>) target(%dma_start3A_349 : memref<64xi32, #tpu.memory_space<vmem>>) target_semaphore(%arg21 : memref<!tpu.dma_semaphore, #tpu.memory_space<semaphore_mem>>)
      %mul3A_351 = arith.constant 64 : i32
      %mul3A_352 = arith.muli %add3A_336, %mul3A_351 : i32
      %dma_start3A_353 = arith.constant 2 : i32
      %dma_start3A_354 = arith.constant 0 : i32
      %dma_start3A_355 = arith.constant 0 : i32
      %dma_start3A_356 = tpu.memref_slice %arg11[%dma_start3A_353, %dma_start3A_354, %dma_start3A_355] : memref<4x64x128xf32, #tpu.memory_space<vmem>> -> memref<1x64x128xf32, #tpu.memory_space<vmem>>
      %dma_start3A_357 = tpu.memref_squeeze %dma_start3A_356 : memref<1x64x128xf32, #tpu.memory_space<vmem>> -> memref<64x128xf32, #tpu.memory_space<vmem>>
      %dma_start3A_358 = tpu.memref_slice %arg9[%mul3A_352] : memref<10240xi32, #tpu.memory_space<vmem>> -> memref<64xi32, #tpu.memory_space<vmem>>
      %dma_start3A_359 = arith.constant 0 : i32
      %dma_start3A_360 = arith.constant 0 : i32
      %dma_start3A_361 = tpu.memref_slice %arg2[%dma_start3A_359, %dma_start3A_360] : memref<20000x128xf32, #tpu.memory_space<hbm>> -> memref<20000x128xf32, #tpu.memory_space<hbm>>
      tpu.enqueue_indirect_dma source(%dma_start3A_361 : memref<20000x128xf32, #tpu.memory_space<hbm>>) target(%dma_start3A_357 : memref<64x128xf32, #tpu.memory_space<vmem>>) offsets(%dma_start3A_358 : memref<64xi32, #tpu.memory_space<vmem>>) semaphore(%arg17 : memref<!tpu.dma_semaphore, #tpu.memory_space<semaphore_mem>>)
      %sub3A_362 = arith.constant 3 : i32
      %sub3A_363 = arith.subi %add3A_336, %sub3A_362 : i32
      %mul3A_364 = arith.constant 64 : i32
      %mul3A_365 = arith.muli %sub3A_363, %mul3A_364 : i32
      %dma_wait3A_366 = arith.constant 3 : i32
      %dma_wait3A_367 = arith.constant 0 : i32
      %dma_wait3A_368 = arith.constant 0 : i32
      %dma_wait3A_369 = tpu.memref_slice %arg11[%dma_wait3A_366, %dma_wait3A_367, %dma_wait3A_368] : memref<4x64x128xf32, #tpu.memory_space<vmem>> -> memref<1x64x128xf32, #tpu.memory_space<vmem>>
      %dma_wait3A_370 = tpu.memref_squeeze %dma_wait3A_369 : memref<1x64x128xf32, #tpu.memory_space<vmem>> -> memref<64x128xf32, #tpu.memory_space<vmem>>
      %dma_wait3A_371 = tpu.memref_slice %arg9[%mul3A_365] : memref<10240xi32, #tpu.memory_space<vmem>> -> memref<64xi32, #tpu.memory_space<vmem>>
      %dma_wait3A_372 = arith.constant 0 : i32
      %dma_wait3A_373 = arith.constant 0 : i32
      %dma_wait3A_374 = tpu.memref_slice %arg2[%dma_wait3A_372, %dma_wait3A_373] : memref<20000x128xf32, #tpu.memory_space<hbm>> -> memref<20000x128xf32, #tpu.memory_space<hbm>>
      tpu.wait_indirect_dma semaphore(%arg18 : memref<!tpu.dma_semaphore, #tpu.memory_space<semaphore_mem>>) src(%dma_wait3A_374 : memref<20000x128xf32, #tpu.memory_space<hbm>>) dst(%dma_wait3A_370 : memref<64x128xf32, #tpu.memory_space<vmem>>)
      %add3A_375 = arith.constant 163840 : i32
      %add3A_376 = arith.addi %add3A_375, %mul3A_4 : i32
      %mul3A_377 = arith.constant 64 : i32
      %mul3A_378 = arith.muli %sub3A_363, %mul3A_377 : i32
      %add3A_379 = arith.addi %add3A_376, %mul3A_378 : i32
      %dma_wait3A_380 = arith.constant 3 : i32
      %dma_wait3A_381 = arith.constant 0 : i32
      %dma_wait3A_382 = tpu.memref_slice %arg10[%dma_wait3A_380, %dma_wait3A_381] : memref<4x64xi32, #tpu.memory_space<vmem>> -> memref<1x64xi32, #tpu.memory_space<vmem>>
      %dma_wait3A_383 = tpu.memref_squeeze %dma_wait3A_382 : memref<1x64xi32, #tpu.memory_space<vmem>> -> memref<64xi32, #tpu.memory_space<vmem>>
      %dma_wait3A_384 = tpu.memref_slice %arg3[%add3A_379] : memref<327680xi32, #tpu.memory_space<hbm>> -> memref<64xi32, #tpu.memory_space<hbm>>
      %dma_wait3A_385 = arith.constant 0 : i32
      %dma_wait3A_386 = tpu.memref_slice %arg10[%dma_wait3A_380, %dma_wait3A_385] : memref<4x64xi32, #tpu.memory_space<vmem>> -> memref<1x64xi32, #tpu.memory_space<vmem>>
      %dma_wait3A_387 = tpu.memref_squeeze %dma_wait3A_386 : memref<1x64xi32, #tpu.memory_space<vmem>> -> memref<64xi32, #tpu.memory_space<vmem>>
      %dma_wait3A_388 = tpu.memref_slice %arg3[%add3A_379] : memref<327680xi32, #tpu.memory_space<hbm>> -> memref<64xi32, #tpu.memory_space<hbm>>
      tpu.wait_dma2 semaphore(%arg22 : memref<!tpu.dma_semaphore, #tpu.memory_space<semaphore_mem>>) src(%dma_wait3A_388 : memref<64xi32, #tpu.memory_space<hbm>>) dst(%dma_wait3A_387 : memref<64xi32, #tpu.memory_space<vmem>>)
      %run_scoped3A_389 = arith.constant 3 : i32
      %run_scoped3A_390 = arith.constant 3 : i32
      "tpu.region"() ({
        %run_scoped3A_451 = tpu.sem_alloc : memref<!tpu.dma_semaphore, #tpu.memory_space<semaphore_mem>>
        %dma_start3A_452 = arith.constant 0 : i32
        %dma_start3A_453 = arith.constant 0 : i32
        %dma_start3A_454 = tpu.memref_slice %arg11[%run_scoped3A_389, %dma_start3A_452, %dma_start3A_453] : memref<4x64x128xf32, #tpu.memory_space<vmem>> -> memref<1x64x128xf32, #tpu.memory_space<vmem>>
        %dma_start3A_455 = tpu.memref_squeeze %dma_start3A_454 : memref<1x64x128xf32, #tpu.memory_space<vmem>> -> memref<64x128xf32, #tpu.memory_space<vmem>>
        %dma_start3A_456 = arith.constant 0 : i32
        %dma_start3A_457 = tpu.memref_slice %arg10[%run_scoped3A_390, %dma_start3A_456] : memref<4x64xi32, #tpu.memory_space<vmem>> -> memref<1x64xi32, #tpu.memory_space<vmem>>
        %dma_start3A_458 = tpu.memref_squeeze %dma_start3A_457 : memref<1x64xi32, #tpu.memory_space<vmem>> -> memref<64xi32, #tpu.memory_space<vmem>>
        %dma_start3A_459 = arith.constant 0 : i32
        %dma_start3A_460 = arith.constant 0 : i32
        %dma_start3A_461 = tpu.memref_slice %arg13[%dma_start3A_459, %dma_start3A_460] : memref<10240x128xf32, #tpu.memory_space<vmem_shared>> -> memref<10240x128xf32, #tpu.memory_space<vmem_shared>>
        tpu.enqueue_indirect_dma source(%dma_start3A_455 : memref<64x128xf32, #tpu.memory_space<vmem>>) target(%dma_start3A_461 : memref<10240x128xf32, #tpu.memory_space<vmem_shared>>) offsets(%dma_start3A_458 : memref<64xi32, #tpu.memory_space<vmem>>) semaphore(%run_scoped3A_451 : memref<!tpu.dma_semaphore, #tpu.memory_space<semaphore_mem>>) {add = true}
        %dma_wait3A_462 = arith.constant 0 : i32
        %dma_wait3A_463 = arith.constant 0 : i32
        %dma_wait3A_464 = tpu.memref_slice %arg11[%run_scoped3A_389, %dma_wait3A_462, %dma_wait3A_463] : memref<4x64x128xf32, #tpu.memory_space<vmem>> -> memref<1x64x128xf32, #tpu.memory_space<vmem>>
        %dma_wait3A_465 = tpu.memref_squeeze %dma_wait3A_464 : memref<1x64x128xf32, #tpu.memory_space<vmem>> -> memref<64x128xf32, #tpu.memory_space<vmem>>
        %dma_wait3A_466 = arith.constant 0 : i32
        %dma_wait3A_467 = tpu.memref_slice %arg10[%run_scoped3A_390, %dma_wait3A_466] : memref<4x64xi32, #tpu.memory_space<vmem>> -> memref<1x64xi32, #tpu.memory_space<vmem>>
        %dma_wait3A_468 = tpu.memref_squeeze %dma_wait3A_467 : memref<1x64xi32, #tpu.memory_space<vmem>> -> memref<64xi32, #tpu.memory_space<vmem>>
        %dma_wait3A_469 = arith.constant 0 : i32
        %dma_wait3A_470 = arith.constant 0 : i32
        %dma_wait3A_471 = tpu.memref_slice %arg13[%dma_wait3A_469, %dma_wait3A_470] : memref<10240x128xf32, #tpu.memory_space<vmem_shared>> -> memref<10240x128xf32, #tpu.memory_space<vmem_shared>>
        tpu.wait_indirect_dma semaphore(%run_scoped3A_451 : memref<!tpu.dma_semaphore, #tpu.memory_space<semaphore_mem>>) src(%dma_wait3A_465 : memref<64x128xf32, #tpu.memory_space<vmem>>) dst(%dma_wait3A_471 : memref<10240x128xf32, #tpu.memory_space<vmem_shared>>)
        tpu.yield
      }) : () -> ()
      %run_scoped3A_391 = arith.constant 3 : i32
      "tpu.region"() ({
        %run_scoped3A_451 = tpu.sem_alloc : memref<!tpu.dma_semaphore, #tpu.memory_space<semaphore_mem>>
        %dma_start3A_452 = arith.constant 0 : i32
        %dma_start3A_453 = tpu.memref_slice %arg10[%run_scoped3A_391, %dma_start3A_452] : memref<4x64xi32, #tpu.memory_space<vmem>> -> memref<1x64xi32, #tpu.memory_space<vmem>>
        %dma_start3A_454 = tpu.memref_squeeze %dma_start3A_453 : memref<1x64xi32, #tpu.memory_space<vmem>> -> memref<64xi32, #tpu.memory_space<vmem>>
        %dma_start3A_455 = arith.constant 0 : i32
        %dma_start3A_456 = tpu.memref_slice %arg14[%dma_start3A_455] : memref<10240xf32, #tpu.memory_space<vmem_shared>> -> memref<10240xf32, #tpu.memory_space<vmem_shared>>
        tpu.enqueue_indirect_dma source(%arg12 : memref<64xf32, #tpu.memory_space<vmem>>) target(%dma_start3A_456 : memref<10240xf32, #tpu.memory_space<vmem_shared>>) offsets(%dma_start3A_454 : memref<64xi32, #tpu.memory_space<vmem>>) semaphore(%run_scoped3A_451 : memref<!tpu.dma_semaphore, #tpu.memory_space<semaphore_mem>>) {add = true}
        %dma_wait3A_457 = arith.constant 0 : i32
        %dma_wait3A_458 = tpu.memref_slice %arg10[%run_scoped3A_391, %dma_wait3A_457] : memref<4x64xi32, #tpu.memory_space<vmem>> -> memref<1x64xi32, #tpu.memory_space<vmem>>
        %dma_wait3A_459 = tpu.memref_squeeze %dma_wait3A_458 : memref<1x64xi32, #tpu.memory_space<vmem>> -> memref<64xi32, #tpu.memory_space<vmem>>
        %dma_wait3A_460 = arith.constant 0 : i32
        %dma_wait3A_461 = tpu.memref_slice %arg14[%dma_wait3A_460] : memref<10240xf32, #tpu.memory_space<vmem_shared>> -> memref<10240xf32, #tpu.memory_space<vmem_shared>>
        tpu.wait_indirect_dma semaphore(%run_scoped3A_451 : memref<!tpu.dma_semaphore, #tpu.memory_space<semaphore_mem>>) src(%arg12 : memref<64xf32, #tpu.memory_space<vmem>>) dst(%dma_wait3A_461 : memref<10240xf32, #tpu.memory_space<vmem_shared>>)
        tpu.yield
      }) : () -> ()
      %mul3A_392 = arith.constant 4 : i32
      %mul3A_393 = arith.muli %mul3A_392, %scan3A_215 : i32
      %add3A_394 = arith.constant 3 : i32
      %add3A_395 = arith.addi %mul3A_393, %add3A_394 : i32
      %add3A_396 = arith.constant 163840 : i32
      %add3A_397 = arith.addi %add3A_396, %mul3A_4 : i32
      %mul3A_398 = arith.constant 64 : i32
      %mul3A_399 = arith.muli %add3A_395, %mul3A_398 : i32
      %add3A_400 = arith.addi %add3A_397, %mul3A_399 : i32
      %dma_start3A_401 = arith.constant 3 : i32
      %dma_start3A_402 = arith.constant 0 : i32
      %dma_start3A_403 = tpu.memref_slice %arg10[%dma_start3A_401, %dma_start3A_402] : memref<4x64xi32, #tpu.memory_space<vmem>> -> memref<1x64xi32, #tpu.memory_space<vmem>>
      %dma_start3A_404 = tpu.memref_squeeze %dma_start3A_403 : memref<1x64xi32, #tpu.memory_space<vmem>> -> memref<64xi32, #tpu.memory_space<vmem>>
      %dma_start3A_405 = tpu.memref_slice %arg3[%add3A_400] : memref<327680xi32, #tpu.memory_space<hbm>> -> memref<64xi32, #tpu.memory_space<hbm>>
      %dma_start3A_406 = arith.constant 0 : i32
      %dma_start3A_407 = tpu.memref_slice %arg10[%dma_start3A_401, %dma_start3A_406] : memref<4x64xi32, #tpu.memory_space<vmem>> -> memref<1x64xi32, #tpu.memory_space<vmem>>
      %dma_start3A_408 = tpu.memref_squeeze %dma_start3A_407 : memref<1x64xi32, #tpu.memory_space<vmem>> -> memref<64xi32, #tpu.memory_space<vmem>>
      %dma_start3A_409 = tpu.memref_slice %arg3[%add3A_400] : memref<327680xi32, #tpu.memory_space<hbm>> -> memref<64xi32, #tpu.memory_space<hbm>>
      tpu.enqueue_dma source(%dma_start3A_409 : memref<64xi32, #tpu.memory_space<hbm>>) target(%dma_start3A_408 : memref<64xi32, #tpu.memory_space<vmem>>) target_semaphore(%arg22 : memref<!tpu.dma_semaphore, #tpu.memory_space<semaphore_mem>>)
      %mul3A_410 = arith.constant 64 : i32
      %mul3A_411 = arith.muli %add3A_395, %mul3A_410 : i32
      %dma_start3A_412 = arith.constant 3 : i32
      %dma_start3A_413 = arith.constant 0 : i32
      %dma_start3A_414 = arith.constant 0 : i32
      %dma_start3A_415 = tpu.memref_slice %arg11[%dma_start3A_412, %dma_start3A_413, %dma_start3A_414] : memref<4x64x128xf32, #tpu.memory_space<vmem>> -> memref<1x64x128xf32, #tpu.memory_space<vmem>>
      %dma_start3A_416 = tpu.memref_squeeze %dma_start3A_415 : memref<1x64x128xf32, #tpu.memory_space<vmem>> -> memref<64x128xf32, #tpu.memory_space<vmem>>
      %dma_start3A_417 = tpu.memref_slice %arg9[%mul3A_411] : memref<10240xi32, #tpu.memory_space<vmem>> -> memref<64xi32, #tpu.memory_space<vmem>>
      %dma_start3A_418 = arith.constant 0 : i32
      %dma_start3A_419 = arith.constant 0 : i32
      %dma_start3A_420 = tpu.memref_slice %arg2[%dma_start3A_418, %dma_start3A_419] : memref<20000x128xf32, #tpu.memory_space<hbm>> -> memref<20000x128xf32, #tpu.memory_space<hbm>>
      tpu.enqueue_indirect_dma source(%dma_start3A_420 : memref<20000x128xf32, #tpu.memory_space<hbm>>) target(%dma_start3A_416 : memref<64x128xf32, #tpu.memory_space<vmem>>) offsets(%dma_start3A_417 : memref<64xi32, #tpu.memory_space<vmem>>) semaphore(%arg18 : memref<!tpu.dma_semaphore, #tpu.memory_space<semaphore_mem>>)
      %sub3A_421 = arith.constant 3 : i32
      %sub3A_422 = arith.subi %add3A_395, %sub3A_421 : i32
      %mul3A_423 = arith.constant 64 : i32
      %mul3A_424 = arith.muli %sub3A_422, %mul3A_423 : i32
      %dma_wait3A_425 = arith.constant 0 : i32
      %dma_wait3A_426 = arith.constant 0 : i32
      %dma_wait3A_427 = arith.constant 0 : i32
      %dma_wait3A_428 = tpu.memref_slice %arg11[%dma_wait3A_425, %dma_wait3A_426, %dma_wait3A_427] : memref<4x64x128xf32, #tpu.memory_space<vmem>> -> memref<1x64x128xf32, #tpu.memory_space<vmem>>
      %dma_wait3A_429 = tpu.memref_squeeze %dma_wait3A_428 : memref<1x64x128xf32, #tpu.memory_space<vmem>> -> memref<64x128xf32, #tpu.memory_space<vmem>>
      %dma_wait3A_430 = tpu.memref_slice %arg9[%mul3A_424] : memref<10240xi32, #tpu.memory_space<vmem>> -> memref<64xi32, #tpu.memory_space<vmem>>
      %dma_wait3A_431 = arith.constant 0 : i32
      %dma_wait3A_432 = arith.constant 0 : i32
      %dma_wait3A_433 = tpu.memref_slice %arg2[%dma_wait3A_431, %dma_wait3A_432] : memref<20000x128xf32, #tpu.memory_space<hbm>> -> memref<20000x128xf32, #tpu.memory_space<hbm>>
      tpu.wait_indirect_dma semaphore(%arg15 : memref<!tpu.dma_semaphore, #tpu.memory_space<semaphore_mem>>) src(%dma_wait3A_433 : memref<20000x128xf32, #tpu.memory_space<hbm>>) dst(%dma_wait3A_429 : memref<64x128xf32, #tpu.memory_space<vmem>>)
      %add3A_434 = arith.constant 163840 : i32
      %add3A_435 = arith.addi %add3A_434, %mul3A_4 : i32
      %mul3A_436 = arith.constant 64 : i32
      %mul3A_437 = arith.muli %sub3A_422, %mul3A_436 : i32
      %add3A_438 = arith.addi %add3A_435, %mul3A_437 : i32
      %dma_wait3A_439 = arith.constant 0 : i32
      %dma_wait3A_440 = arith.constant 0 : i32
      %dma_wait3A_441 = tpu.memref_slice %arg10[%dma_wait3A_439, %dma_wait3A_440] : memref<4x64xi32, #tpu.memory_space<vmem>> -> memref<1x64xi32, #tpu.memory_space<vmem>>
      %dma_wait3A_442 = tpu.memref_squeeze %dma_wait3A_441 : memref<1x64xi32, #tpu.memory_space<vmem>> -> memref<64xi32, #tpu.memory_space<vmem>>
      %dma_wait3A_443 = tpu.memref_slice %arg3[%add3A_438] : memref<327680xi32, #tpu.memory_space<hbm>> -> memref<64xi32, #tpu.memory_space<hbm>>
      %dma_wait3A_444 = arith.constant 0 : i32
      %dma_wait3A_445 = tpu.memref_slice %arg10[%dma_wait3A_439, %dma_wait3A_444] : memref<4x64xi32, #tpu.memory_space<vmem>> -> memref<1x64xi32, #tpu.memory_space<vmem>>
      %dma_wait3A_446 = tpu.memref_squeeze %dma_wait3A_445 : memref<1x64xi32, #tpu.memory_space<vmem>> -> memref<64xi32, #tpu.memory_space<vmem>>
      %dma_wait3A_447 = tpu.memref_slice %arg3[%add3A_438] : memref<327680xi32, #tpu.memory_space<hbm>> -> memref<64xi32, #tpu.memory_space<hbm>>
      tpu.wait_dma2 semaphore(%arg19 : memref<!tpu.dma_semaphore, #tpu.memory_space<semaphore_mem>>) src(%dma_wait3A_447 : memref<64xi32, #tpu.memory_space<hbm>>) dst(%dma_wait3A_446 : memref<64xi32, #tpu.memory_space<vmem>>)
      %run_scoped3A_448 = arith.constant 0 : i32
      %run_scoped3A_449 = arith.constant 0 : i32
      "tpu.region"() ({
        %run_scoped3A_451 = tpu.sem_alloc : memref<!tpu.dma_semaphore, #tpu.memory_space<semaphore_mem>>
        %dma_start3A_452 = arith.constant 0 : i32
        %dma_start3A_453 = arith.constant 0 : i32
        %dma_start3A_454 = tpu.memref_slice %arg11[%run_scoped3A_448, %dma_start3A_452, %dma_start3A_453] : memref<4x64x128xf32, #tpu.memory_space<vmem>> -> memref<1x64x128xf32, #tpu.memory_space<vmem>>
        %dma_start3A_455 = tpu.memref_squeeze %dma_start3A_454 : memref<1x64x128xf32, #tpu.memory_space<vmem>> -> memref<64x128xf32, #tpu.memory_space<vmem>>
        %dma_start3A_456 = arith.constant 0 : i32
        %dma_start3A_457 = tpu.memref_slice %arg10[%run_scoped3A_449, %dma_start3A_456] : memref<4x64xi32, #tpu.memory_space<vmem>> -> memref<1x64xi32, #tpu.memory_space<vmem>>
        %dma_start3A_458 = tpu.memref_squeeze %dma_start3A_457 : memref<1x64xi32, #tpu.memory_space<vmem>> -> memref<64xi32, #tpu.memory_space<vmem>>
        %dma_start3A_459 = arith.constant 0 : i32
        %dma_start3A_460 = arith.constant 0 : i32
        %dma_start3A_461 = tpu.memref_slice %arg13[%dma_start3A_459, %dma_start3A_460] : memref<10240x128xf32, #tpu.memory_space<vmem_shared>> -> memref<10240x128xf32, #tpu.memory_space<vmem_shared>>
        tpu.enqueue_indirect_dma source(%dma_start3A_455 : memref<64x128xf32, #tpu.memory_space<vmem>>) target(%dma_start3A_461 : memref<10240x128xf32, #tpu.memory_space<vmem_shared>>) offsets(%dma_start3A_458 : memref<64xi32, #tpu.memory_space<vmem>>) semaphore(%run_scoped3A_451 : memref<!tpu.dma_semaphore, #tpu.memory_space<semaphore_mem>>) {add = true}
        %dma_wait3A_462 = arith.constant 0 : i32
        %dma_wait3A_463 = arith.constant 0 : i32
        %dma_wait3A_464 = tpu.memref_slice %arg11[%run_scoped3A_448, %dma_wait3A_462, %dma_wait3A_463] : memref<4x64x128xf32, #tpu.memory_space<vmem>> -> memref<1x64x128xf32, #tpu.memory_space<vmem>>
        %dma_wait3A_465 = tpu.memref_squeeze %dma_wait3A_464 : memref<1x64x128xf32, #tpu.memory_space<vmem>> -> memref<64x128xf32, #tpu.memory_space<vmem>>
        %dma_wait3A_466 = arith.constant 0 : i32
        %dma_wait3A_467 = tpu.memref_slice %arg10[%run_scoped3A_449, %dma_wait3A_466] : memref<4x64xi32, #tpu.memory_space<vmem>> -> memref<1x64xi32, #tpu.memory_space<vmem>>
        %dma_wait3A_468 = tpu.memref_squeeze %dma_wait3A_467 : memref<1x64xi32, #tpu.memory_space<vmem>> -> memref<64xi32, #tpu.memory_space<vmem>>
        %dma_wait3A_469 = arith.constant 0 : i32
        %dma_wait3A_470 = arith.constant 0 : i32
        %dma_wait3A_471 = tpu.memref_slice %arg13[%dma_wait3A_469, %dma_wait3A_470] : memref<10240x128xf32, #tpu.memory_space<vmem_shared>> -> memref<10240x128xf32, #tpu.memory_space<vmem_shared>>
        tpu.wait_indirect_dma semaphore(%run_scoped3A_451 : memref<!tpu.dma_semaphore, #tpu.memory_space<semaphore_mem>>) src(%dma_wait3A_465 : memref<64x128xf32, #tpu.memory_space<vmem>>) dst(%dma_wait3A_471 : memref<10240x128xf32, #tpu.memory_space<vmem_shared>>)
        tpu.yield
      }) : () -> ()
      %run_scoped3A_450 = arith.constant 0 : i32
      "tpu.region"() ({
        %run_scoped3A_451 = tpu.sem_alloc : memref<!tpu.dma_semaphore, #tpu.memory_space<semaphore_mem>>
        %dma_start3A_452 = arith.constant 0 : i32
        %dma_start3A_453 = tpu.memref_slice %arg10[%run_scoped3A_450, %dma_start3A_452] : memref<4x64xi32, #tpu.memory_space<vmem>> -> memref<1x64xi32, #tpu.memory_space<vmem>>
        %dma_start3A_454 = tpu.memref_squeeze %dma_start3A_453 : memref<1x64xi32, #tpu.memory_space<vmem>> -> memref<64xi32, #tpu.memory_space<vmem>>
        %dma_start3A_455 = arith.constant 0 : i32
        %dma_start3A_456 = tpu.memref_slice %arg14[%dma_start3A_455] : memref<10240xf32, #tpu.memory_space<vmem_shared>> -> memref<10240xf32, #tpu.memory_space<vmem_shared>>
        tpu.enqueue_indirect_dma source(%arg12 : memref<64xf32, #tpu.memory_space<vmem>>) target(%dma_start3A_456 : memref<10240xf32, #tpu.memory_space<vmem_shared>>) offsets(%dma_start3A_454 : memref<64xi32, #tpu.memory_space<vmem>>) semaphore(%run_scoped3A_451 : memref<!tpu.dma_semaphore, #tpu.memory_space<semaphore_mem>>) {add = true}
        %dma_wait3A_457 = arith.constant 0 : i32
        %dma_wait3A_458 = tpu.memref_slice %arg10[%run_scoped3A_450, %dma_wait3A_457] : memref<4x64xi32, #tpu.memory_space<vmem>> -> memref<1x64xi32, #tpu.memory_space<vmem>>
        %dma_wait3A_459 = tpu.memref_squeeze %dma_wait3A_458 : memref<1x64xi32, #tpu.memory_space<vmem>> -> memref<64xi32, #tpu.memory_space<vmem>>
        %dma_wait3A_460 = arith.constant 0 : i32
        %dma_wait3A_461 = tpu.memref_slice %arg14[%dma_wait3A_460] : memref<10240xf32, #tpu.memory_space<vmem_shared>> -> memref<10240xf32, #tpu.memory_space<vmem_shared>>
        tpu.wait_indirect_dma semaphore(%run_scoped3A_451 : memref<!tpu.dma_semaphore, #tpu.memory_space<semaphore_mem>>) src(%arg12 : memref<64xf32, #tpu.memory_space<vmem>>) dst(%dma_wait3A_461 : memref<10240xf32, #tpu.memory_space<vmem_shared>>)
        tpu.yield
      }) : () -> ()
    }
    %scan3A_129 = arith.constant 39 : i32
    %dma_wait3A_130 = arith.constant 1 : i32
    %dma_wait3A_131 = arith.constant 0 : i32
    %dma_wait3A_132 = arith.constant 0 : i32
    %dma_wait3A_133 = tpu.memref_slice %arg11[%dma_wait3A_130, %dma_wait3A_131, %dma_wait3A_132] : memref<4x64x128xf32, #tpu.memory_space<vmem>> -> memref<1x64x128xf32, #tpu.memory_space<vmem>>
    %dma_wait3A_134 = tpu.memref_squeeze %dma_wait3A_133 : memref<1x64x128xf32, #tpu.memory_space<vmem>> -> memref<64x128xf32, #tpu.memory_space<vmem>>
    %dma_wait3A_135 = arith.constant 10048 : i32
    %dma_wait3A_136 = tpu.memref_slice %arg9[%dma_wait3A_135] : memref<10240xi32, #tpu.memory_space<vmem>> -> memref<64xi32, #tpu.memory_space<vmem>>
    %dma_wait3A_137 = arith.constant 0 : i32
    %dma_wait3A_138 = arith.constant 0 : i32
    %dma_wait3A_139 = tpu.memref_slice %arg2[%dma_wait3A_137, %dma_wait3A_138] : memref<20000x128xf32, #tpu.memory_space<hbm>> -> memref<20000x128xf32, #tpu.memory_space<hbm>>
    tpu.wait_indirect_dma semaphore(%arg16 : memref<!tpu.dma_semaphore, #tpu.memory_space<semaphore_mem>>) src(%dma_wait3A_139 : memref<20000x128xf32, #tpu.memory_space<hbm>>) dst(%dma_wait3A_134 : memref<64x128xf32, #tpu.memory_space<vmem>>)
    %add3A_140 = arith.constant 163840 : i32
    %add3A_141 = arith.addi %add3A_140, %mul3A_4 : i32
    %add3A_142 = arith.constant 10048 : i32
    %add3A_143 = arith.addi %add3A_141, %add3A_142 : i32
    %dma_wait3A_144 = arith.constant 1 : i32
    %dma_wait3A_145 = arith.constant 0 : i32
    %dma_wait3A_146 = tpu.memref_slice %arg10[%dma_wait3A_144, %dma_wait3A_145] : memref<4x64xi32, #tpu.memory_space<vmem>> -> memref<1x64xi32, #tpu.memory_space<vmem>>
    %dma_wait3A_147 = tpu.memref_squeeze %dma_wait3A_146 : memref<1x64xi32, #tpu.memory_space<vmem>> -> memref<64xi32, #tpu.memory_space<vmem>>
    %dma_wait3A_148 = tpu.memref_slice %arg3[%add3A_143] : memref<327680xi32, #tpu.memory_space<hbm>> -> memref<64xi32, #tpu.memory_space<hbm>>
    %dma_wait3A_149 = arith.constant 0 : i32
    %dma_wait3A_150 = tpu.memref_slice %arg10[%dma_wait3A_144, %dma_wait3A_149] : memref<4x64xi32, #tpu.memory_space<vmem>> -> memref<1x64xi32, #tpu.memory_space<vmem>>
    %dma_wait3A_151 = tpu.memref_squeeze %dma_wait3A_150 : memref<1x64xi32, #tpu.memory_space<vmem>> -> memref<64xi32, #tpu.memory_space<vmem>>
    %dma_wait3A_152 = tpu.memref_slice %arg3[%add3A_143] : memref<327680xi32, #tpu.memory_space<hbm>> -> memref<64xi32, #tpu.memory_space<hbm>>
    tpu.wait_dma2 semaphore(%arg20 : memref<!tpu.dma_semaphore, #tpu.memory_space<semaphore_mem>>) src(%dma_wait3A_152 : memref<64xi32, #tpu.memory_space<hbm>>) dst(%dma_wait3A_151 : memref<64xi32, #tpu.memory_space<vmem>>)
    %run_scoped3A_153 = arith.constant 1 : i32
    %run_scoped3A_154 = arith.constant 1 : i32
    "tpu.region"() ({
      %run_scoped3A_215 = tpu.sem_alloc : memref<!tpu.dma_semaphore, #tpu.memory_space<semaphore_mem>>
      %dma_start3A_216 = arith.constant 0 : i32
      %dma_start3A_217 = arith.constant 0 : i32
      %dma_start3A_218 = tpu.memref_slice %arg11[%run_scoped3A_153, %dma_start3A_216, %dma_start3A_217] : memref<4x64x128xf32, #tpu.memory_space<vmem>> -> memref<1x64x128xf32, #tpu.memory_space<vmem>>
      %dma_start3A_219 = tpu.memref_squeeze %dma_start3A_218 : memref<1x64x128xf32, #tpu.memory_space<vmem>> -> memref<64x128xf32, #tpu.memory_space<vmem>>
      %dma_start3A_220 = arith.constant 0 : i32
      %dma_start3A_221 = tpu.memref_slice %arg10[%run_scoped3A_154, %dma_start3A_220] : memref<4x64xi32, #tpu.memory_space<vmem>> -> memref<1x64xi32, #tpu.memory_space<vmem>>
      %dma_start3A_222 = tpu.memref_squeeze %dma_start3A_221 : memref<1x64xi32, #tpu.memory_space<vmem>> -> memref<64xi32, #tpu.memory_space<vmem>>
      %dma_start3A_223 = arith.constant 0 : i32
      %dma_start3A_224 = arith.constant 0 : i32
      %dma_start3A_225 = tpu.memref_slice %arg13[%dma_start3A_223, %dma_start3A_224] : memref<10240x128xf32, #tpu.memory_space<vmem_shared>> -> memref<10240x128xf32, #tpu.memory_space<vmem_shared>>
      tpu.enqueue_indirect_dma source(%dma_start3A_219 : memref<64x128xf32, #tpu.memory_space<vmem>>) target(%dma_start3A_225 : memref<10240x128xf32, #tpu.memory_space<vmem_shared>>) offsets(%dma_start3A_222 : memref<64xi32, #tpu.memory_space<vmem>>) semaphore(%run_scoped3A_215 : memref<!tpu.dma_semaphore, #tpu.memory_space<semaphore_mem>>) {add = true}
      %dma_wait3A_226 = arith.constant 0 : i32
      %dma_wait3A_227 = arith.constant 0 : i32
      %dma_wait3A_228 = tpu.memref_slice %arg11[%run_scoped3A_153, %dma_wait3A_226, %dma_wait3A_227] : memref<4x64x128xf32, #tpu.memory_space<vmem>> -> memref<1x64x128xf32, #tpu.memory_space<vmem>>
      %dma_wait3A_229 = tpu.memref_squeeze %dma_wait3A_228 : memref<1x64x128xf32, #tpu.memory_space<vmem>> -> memref<64x128xf32, #tpu.memory_space<vmem>>
      %dma_wait3A_230 = arith.constant 0 : i32
      %dma_wait3A_231 = tpu.memref_slice %arg10[%run_scoped3A_154, %dma_wait3A_230] : memref<4x64xi32, #tpu.memory_space<vmem>> -> memref<1x64xi32, #tpu.memory_space<vmem>>
      %dma_wait3A_232 = tpu.memref_squeeze %dma_wait3A_231 : memref<1x64xi32, #tpu.memory_space<vmem>> -> memref<64xi32, #tpu.memory_space<vmem>>
      %dma_wait3A_233 = arith.constant 0 : i32
      %dma_wait3A_234 = arith.constant 0 : i32
      %dma_wait3A_235 = tpu.memref_slice %arg13[%dma_wait3A_233, %dma_wait3A_234] : memref<10240x128xf32, #tpu.memory_space<vmem_shared>> -> memref<10240x128xf32, #tpu.memory_space<vmem_shared>>
      tpu.wait_indirect_dma semaphore(%run_scoped3A_215 : memref<!tpu.dma_semaphore, #tpu.memory_space<semaphore_mem>>) src(%dma_wait3A_229 : memref<64x128xf32, #tpu.memory_space<vmem>>) dst(%dma_wait3A_235 : memref<10240x128xf32, #tpu.memory_space<vmem_shared>>)
      tpu.yield
    }) : () -> ()
    %run_scoped3A_155 = arith.constant 1 : i32
    "tpu.region"() ({
      %run_scoped3A_215 = tpu.sem_alloc : memref<!tpu.dma_semaphore, #tpu.memory_space<semaphore_mem>>
      %dma_start3A_216 = arith.constant 0 : i32
      %dma_start3A_217 = tpu.memref_slice %arg10[%run_scoped3A_155, %dma_start3A_216] : memref<4x64xi32, #tpu.memory_space<vmem>> -> memref<1x64xi32, #tpu.memory_space<vmem>>
      %dma_start3A_218 = tpu.memref_squeeze %dma_start3A_217 : memref<1x64xi32, #tpu.memory_space<vmem>> -> memref<64xi32, #tpu.memory_space<vmem>>
      %dma_start3A_219 = arith.constant 0 : i32
      %dma_start3A_220 = tpu.memref_slice %arg14[%dma_start3A_219] : memref<10240xf32, #tpu.memory_space<vmem_shared>> -> memref<10240xf32, #tpu.memory_space<vmem_shared>>
      tpu.enqueue_indirect_dma source(%arg12 : memref<64xf32, #tpu.memory_space<vmem>>) target(%dma_start3A_220 : memref<10240xf32, #tpu.memory_space<vmem_shared>>) offsets(%dma_start3A_218 : memref<64xi32, #tpu.memory_space<vmem>>) semaphore(%run_scoped3A_215 : memref<!tpu.dma_semaphore, #tpu.memory_space<semaphore_mem>>) {add = true}
      %dma_wait3A_221 = arith.constant 0 : i32
      %dma_wait3A_222 = tpu.memref_slice %arg10[%run_scoped3A_155, %dma_wait3A_221] : memref<4x64xi32, #tpu.memory_space<vmem>> -> memref<1x64xi32, #tpu.memory_space<vmem>>
      %dma_wait3A_223 = tpu.memref_squeeze %dma_wait3A_222 : memref<1x64xi32, #tpu.memory_space<vmem>> -> memref<64xi32, #tpu.memory_space<vmem>>
      %dma_wait3A_224 = arith.constant 0 : i32
      %dma_wait3A_225 = tpu.memref_slice %arg14[%dma_wait3A_224] : memref<10240xf32, #tpu.memory_space<vmem_shared>> -> memref<10240xf32, #tpu.memory_space<vmem_shared>>
      tpu.wait_indirect_dma semaphore(%run_scoped3A_215 : memref<!tpu.dma_semaphore, #tpu.memory_space<semaphore_mem>>) src(%arg12 : memref<64xf32, #tpu.memory_space<vmem>>) dst(%dma_wait3A_225 : memref<10240xf32, #tpu.memory_space<vmem_shared>>)
      tpu.yield
    }) : () -> ()
    %dma_wait3A_156 = arith.constant 2 : i32
    %dma_wait3A_157 = arith.constant 0 : i32
    %dma_wait3A_158 = arith.constant 0 : i32
    %dma_wait3A_159 = tpu.memref_slice %arg11[%dma_wait3A_156, %dma_wait3A_157, %dma_wait3A_158] : memref<4x64x128xf32, #tpu.memory_space<vmem>> -> memref<1x64x128xf32, #tpu.memory_space<vmem>>
    %dma_wait3A_160 = tpu.memref_squeeze %dma_wait3A_159 : memref<1x64x128xf32, #tpu.memory_space<vmem>> -> memref<64x128xf32, #tpu.memory_space<vmem>>
    %dma_wait3A_161 = arith.constant 10112 : i32
    %dma_wait3A_162 = tpu.memref_slice %arg9[%dma_wait3A_161] : memref<10240xi32, #tpu.memory_space<vmem>> -> memref<64xi32, #tpu.memory_space<vmem>>
    %dma_wait3A_163 = arith.constant 0 : i32
    %dma_wait3A_164 = arith.constant 0 : i32
    %dma_wait3A_165 = tpu.memref_slice %arg2[%dma_wait3A_163, %dma_wait3A_164] : memref<20000x128xf32, #tpu.memory_space<hbm>> -> memref<20000x128xf32, #tpu.memory_space<hbm>>
    tpu.wait_indirect_dma semaphore(%arg17 : memref<!tpu.dma_semaphore, #tpu.memory_space<semaphore_mem>>) src(%dma_wait3A_165 : memref<20000x128xf32, #tpu.memory_space<hbm>>) dst(%dma_wait3A_160 : memref<64x128xf32, #tpu.memory_space<vmem>>)
    %add3A_166 = arith.constant 163840 : i32
    %add3A_167 = arith.addi %add3A_166, %mul3A_4 : i32
    %add3A_168 = arith.constant 10112 : i32
    %add3A_169 = arith.addi %add3A_167, %add3A_168 : i32
    %dma_wait3A_170 = arith.constant 2 : i32
    %dma_wait3A_171 = arith.constant 0 : i32
    %dma_wait3A_172 = tpu.memref_slice %arg10[%dma_wait3A_170, %dma_wait3A_171] : memref<4x64xi32, #tpu.memory_space<vmem>> -> memref<1x64xi32, #tpu.memory_space<vmem>>
    %dma_wait3A_173 = tpu.memref_squeeze %dma_wait3A_172 : memref<1x64xi32, #tpu.memory_space<vmem>> -> memref<64xi32, #tpu.memory_space<vmem>>
    %dma_wait3A_174 = tpu.memref_slice %arg3[%add3A_169] : memref<327680xi32, #tpu.memory_space<hbm>> -> memref<64xi32, #tpu.memory_space<hbm>>
    %dma_wait3A_175 = arith.constant 0 : i32
    %dma_wait3A_176 = tpu.memref_slice %arg10[%dma_wait3A_170, %dma_wait3A_175] : memref<4x64xi32, #tpu.memory_space<vmem>> -> memref<1x64xi32, #tpu.memory_space<vmem>>
    %dma_wait3A_177 = tpu.memref_squeeze %dma_wait3A_176 : memref<1x64xi32, #tpu.memory_space<vmem>> -> memref<64xi32, #tpu.memory_space<vmem>>
    %dma_wait3A_178 = tpu.memref_slice %arg3[%add3A_169] : memref<327680xi32, #tpu.memory_space<hbm>> -> memref<64xi32, #tpu.memory_space<hbm>>
    tpu.wait_dma2 semaphore(%arg21 : memref<!tpu.dma_semaphore, #tpu.memory_space<semaphore_mem>>) src(%dma_wait3A_178 : memref<64xi32, #tpu.memory_space<hbm>>) dst(%dma_wait3A_177 : memref<64xi32, #tpu.memory_space<vmem>>)
    %run_scoped3A_179 = arith.constant 2 : i32
    %run_scoped3A_180 = arith.constant 2 : i32
    "tpu.region"() ({
      %run_scoped3A_215 = tpu.sem_alloc : memref<!tpu.dma_semaphore, #tpu.memory_space<semaphore_mem>>
      %dma_start3A_216 = arith.constant 0 : i32
      %dma_start3A_217 = arith.constant 0 : i32
      %dma_start3A_218 = tpu.memref_slice %arg11[%run_scoped3A_179, %dma_start3A_216, %dma_start3A_217] : memref<4x64x128xf32, #tpu.memory_space<vmem>> -> memref<1x64x128xf32, #tpu.memory_space<vmem>>
      %dma_start3A_219 = tpu.memref_squeeze %dma_start3A_218 : memref<1x64x128xf32, #tpu.memory_space<vmem>> -> memref<64x128xf32, #tpu.memory_space<vmem>>
      %dma_start3A_220 = arith.constant 0 : i32
      %dma_start3A_221 = tpu.memref_slice %arg10[%run_scoped3A_180, %dma_start3A_220] : memref<4x64xi32, #tpu.memory_space<vmem>> -> memref<1x64xi32, #tpu.memory_space<vmem>>
      %dma_start3A_222 = tpu.memref_squeeze %dma_start3A_221 : memref<1x64xi32, #tpu.memory_space<vmem>> -> memref<64xi32, #tpu.memory_space<vmem>>
      %dma_start3A_223 = arith.constant 0 : i32
      %dma_start3A_224 = arith.constant 0 : i32
      %dma_start3A_225 = tpu.memref_slice %arg13[%dma_start3A_223, %dma_start3A_224] : memref<10240x128xf32, #tpu.memory_space<vmem_shared>> -> memref<10240x128xf32, #tpu.memory_space<vmem_shared>>
      tpu.enqueue_indirect_dma source(%dma_start3A_219 : memref<64x128xf32, #tpu.memory_space<vmem>>) target(%dma_start3A_225 : memref<10240x128xf32, #tpu.memory_space<vmem_shared>>) offsets(%dma_start3A_222 : memref<64xi32, #tpu.memory_space<vmem>>) semaphore(%run_scoped3A_215 : memref<!tpu.dma_semaphore, #tpu.memory_space<semaphore_mem>>) {add = true}
      %dma_wait3A_226 = arith.constant 0 : i32
      %dma_wait3A_227 = arith.constant 0 : i32
      %dma_wait3A_228 = tpu.memref_slice %arg11[%run_scoped3A_179, %dma_wait3A_226, %dma_wait3A_227] : memref<4x64x128xf32, #tpu.memory_space<vmem>> -> memref<1x64x128xf32, #tpu.memory_space<vmem>>
      %dma_wait3A_229 = tpu.memref_squeeze %dma_wait3A_228 : memref<1x64x128xf32, #tpu.memory_space<vmem>> -> memref<64x128xf32, #tpu.memory_space<vmem>>
      %dma_wait3A_230 = arith.constant 0 : i32
      %dma_wait3A_231 = tpu.memref_slice %arg10[%run_scoped3A_180, %dma_wait3A_230] : memref<4x64xi32, #tpu.memory_space<vmem>> -> memref<1x64xi32, #tpu.memory_space<vmem>>
      %dma_wait3A_232 = tpu.memref_squeeze %dma_wait3A_231 : memref<1x64xi32, #tpu.memory_space<vmem>> -> memref<64xi32, #tpu.memory_space<vmem>>
      %dma_wait3A_233 = arith.constant 0 : i32
      %dma_wait3A_234 = arith.constant 0 : i32
      %dma_wait3A_235 = tpu.memref_slice %arg13[%dma_wait3A_233, %dma_wait3A_234] : memref<10240x128xf32, #tpu.memory_space<vmem_shared>> -> memref<10240x128xf32, #tpu.memory_space<vmem_shared>>
      tpu.wait_indirect_dma semaphore(%run_scoped3A_215 : memref<!tpu.dma_semaphore, #tpu.memory_space<semaphore_mem>>) src(%dma_wait3A_229 : memref<64x128xf32, #tpu.memory_space<vmem>>) dst(%dma_wait3A_235 : memref<10240x128xf32, #tpu.memory_space<vmem_shared>>)
      tpu.yield
    }) : () -> ()
    %run_scoped3A_181 = arith.constant 2 : i32
    "tpu.region"() ({
      %run_scoped3A_215 = tpu.sem_alloc : memref<!tpu.dma_semaphore, #tpu.memory_space<semaphore_mem>>
      %dma_start3A_216 = arith.constant 0 : i32
      %dma_start3A_217 = tpu.memref_slice %arg10[%run_scoped3A_181, %dma_start3A_216] : memref<4x64xi32, #tpu.memory_space<vmem>> -> memref<1x64xi32, #tpu.memory_space<vmem>>
      %dma_start3A_218 = tpu.memref_squeeze %dma_start3A_217 : memref<1x64xi32, #tpu.memory_space<vmem>> -> memref<64xi32, #tpu.memory_space<vmem>>
      %dma_start3A_219 = arith.constant 0 : i32
      %dma_start3A_220 = tpu.memref_slice %arg14[%dma_start3A_219] : memref<10240xf32, #tpu.memory_space<vmem_shared>> -> memref<10240xf32, #tpu.memory_space<vmem_shared>>
      tpu.enqueue_indirect_dma source(%arg12 : memref<64xf32, #tpu.memory_space<vmem>>) target(%dma_start3A_220 : memref<10240xf32, #tpu.memory_space<vmem_shared>>) offsets(%dma_start3A_218 : memref<64xi32, #tpu.memory_space<vmem>>) semaphore(%run_scoped3A_215 : memref<!tpu.dma_semaphore, #tpu.memory_space<semaphore_mem>>) {add = true}
      %dma_wait3A_221 = arith.constant 0 : i32
      %dma_wait3A_222 = tpu.memref_slice %arg10[%run_scoped3A_181, %dma_wait3A_221] : memref<4x64xi32, #tpu.memory_space<vmem>> -> memref<1x64xi32, #tpu.memory_space<vmem>>
      %dma_wait3A_223 = tpu.memref_squeeze %dma_wait3A_222 : memref<1x64xi32, #tpu.memory_space<vmem>> -> memref<64xi32, #tpu.memory_space<vmem>>
      %dma_wait3A_224 = arith.constant 0 : i32
      %dma_wait3A_225 = tpu.memref_slice %arg14[%dma_wait3A_224] : memref<10240xf32, #tpu.memory_space<vmem_shared>> -> memref<10240xf32, #tpu.memory_space<vmem_shared>>
      tpu.wait_indirect_dma semaphore(%run_scoped3A_215 : memref<!tpu.dma_semaphore, #tpu.memory_space<semaphore_mem>>) src(%arg12 : memref<64xf32, #tpu.memory_space<vmem>>) dst(%dma_wait3A_225 : memref<10240xf32, #tpu.memory_space<vmem_shared>>)
      tpu.yield
    }) : () -> ()
    %dma_wait3A_182 = arith.constant 3 : i32
    %dma_wait3A_183 = arith.constant 0 : i32
    %dma_wait3A_184 = arith.constant 0 : i32
    %dma_wait3A_185 = tpu.memref_slice %arg11[%dma_wait3A_182, %dma_wait3A_183, %dma_wait3A_184] : memref<4x64x128xf32, #tpu.memory_space<vmem>> -> memref<1x64x128xf32, #tpu.memory_space<vmem>>
    %dma_wait3A_186 = tpu.memref_squeeze %dma_wait3A_185 : memref<1x64x128xf32, #tpu.memory_space<vmem>> -> memref<64x128xf32, #tpu.memory_space<vmem>>
    %dma_wait3A_187 = arith.constant 10176 : i32
    %dma_wait3A_188 = tpu.memref_slice %arg9[%dma_wait3A_187] : memref<10240xi32, #tpu.memory_space<vmem>> -> memref<64xi32, #tpu.memory_space<vmem>>
    %dma_wait3A_189 = arith.constant 0 : i32
    %dma_wait3A_190 = arith.constant 0 : i32
    %dma_wait3A_191 = tpu.memref_slice %arg2[%dma_wait3A_189, %dma_wait3A_190] : memref<20000x128xf32, #tpu.memory_space<hbm>> -> memref<20000x128xf32, #tpu.memory_space<hbm>>
    tpu.wait_indirect_dma semaphore(%arg18 : memref<!tpu.dma_semaphore, #tpu.memory_space<semaphore_mem>>) src(%dma_wait3A_191 : memref<20000x128xf32, #tpu.memory_space<hbm>>) dst(%dma_wait3A_186 : memref<64x128xf32, #tpu.memory_space<vmem>>)
    %add3A_192 = arith.constant 163840 : i32
    %add3A_193 = arith.addi %add3A_192, %mul3A_4 : i32
    %add3A_194 = arith.constant 10176 : i32
    %add3A_195 = arith.addi %add3A_193, %add3A_194 : i32
    %dma_wait3A_196 = arith.constant 3 : i32
    %dma_wait3A_197 = arith.constant 0 : i32
    %dma_wait3A_198 = tpu.memref_slice %arg10[%dma_wait3A_196, %dma_wait3A_197] : memref<4x64xi32, #tpu.memory_space<vmem>> -> memref<1x64xi32, #tpu.memory_space<vmem>>
    %dma_wait3A_199 = tpu.memref_squeeze %dma_wait3A_198 : memref<1x64xi32, #tpu.memory_space<vmem>> -> memref<64xi32, #tpu.memory_space<vmem>>
    %dma_wait3A_200 = tpu.memref_slice %arg3[%add3A_195] : memref<327680xi32, #tpu.memory_space<hbm>> -> memref<64xi32, #tpu.memory_space<hbm>>
    %dma_wait3A_201 = arith.constant 0 : i32
    %dma_wait3A_202 = tpu.memref_slice %arg10[%dma_wait3A_196, %dma_wait3A_201] : memref<4x64xi32, #tpu.memory_space<vmem>> -> memref<1x64xi32, #tpu.memory_space<vmem>>
    %dma_wait3A_203 = tpu.memref_squeeze %dma_wait3A_202 : memref<1x64xi32, #tpu.memory_space<vmem>> -> memref<64xi32, #tpu.memory_space<vmem>>
    %dma_wait3A_204 = tpu.memref_slice %arg3[%add3A_195] : memref<327680xi32, #tpu.memory_space<hbm>> -> memref<64xi32, #tpu.memory_space<hbm>>
    tpu.wait_dma2 semaphore(%arg22 : memref<!tpu.dma_semaphore, #tpu.memory_space<semaphore_mem>>) src(%dma_wait3A_204 : memref<64xi32, #tpu.memory_space<hbm>>) dst(%dma_wait3A_203 : memref<64xi32, #tpu.memory_space<vmem>>)
    %run_scoped3A_205 = arith.constant 3 : i32
    %run_scoped3A_206 = arith.constant 3 : i32
    "tpu.region"() ({
      %run_scoped3A_215 = tpu.sem_alloc : memref<!tpu.dma_semaphore, #tpu.memory_space<semaphore_mem>>
      %dma_start3A_216 = arith.constant 0 : i32
      %dma_start3A_217 = arith.constant 0 : i32
      %dma_start3A_218 = tpu.memref_slice %arg11[%run_scoped3A_205, %dma_start3A_216, %dma_start3A_217] : memref<4x64x128xf32, #tpu.memory_space<vmem>> -> memref<1x64x128xf32, #tpu.memory_space<vmem>>
      %dma_start3A_219 = tpu.memref_squeeze %dma_start3A_218 : memref<1x64x128xf32, #tpu.memory_space<vmem>> -> memref<64x128xf32, #tpu.memory_space<vmem>>
      %dma_start3A_220 = arith.constant 0 : i32
      %dma_start3A_221 = tpu.memref_slice %arg10[%run_scoped3A_206, %dma_start3A_220] : memref<4x64xi32, #tpu.memory_space<vmem>> -> memref<1x64xi32, #tpu.memory_space<vmem>>
      %dma_start3A_222 = tpu.memref_squeeze %dma_start3A_221 : memref<1x64xi32, #tpu.memory_space<vmem>> -> memref<64xi32, #tpu.memory_space<vmem>>
      %dma_start3A_223 = arith.constant 0 : i32
      %dma_start3A_224 = arith.constant 0 : i32
      %dma_start3A_225 = tpu.memref_slice %arg13[%dma_start3A_223, %dma_start3A_224] : memref<10240x128xf32, #tpu.memory_space<vmem_shared>> -> memref<10240x128xf32, #tpu.memory_space<vmem_shared>>
      tpu.enqueue_indirect_dma source(%dma_start3A_219 : memref<64x128xf32, #tpu.memory_space<vmem>>) target(%dma_start3A_225 : memref<10240x128xf32, #tpu.memory_space<vmem_shared>>) offsets(%dma_start3A_222 : memref<64xi32, #tpu.memory_space<vmem>>) semaphore(%run_scoped3A_215 : memref<!tpu.dma_semaphore, #tpu.memory_space<semaphore_mem>>) {add = true}
      %dma_wait3A_226 = arith.constant 0 : i32
      %dma_wait3A_227 = arith.constant 0 : i32
      %dma_wait3A_228 = tpu.memref_slice %arg11[%run_scoped3A_205, %dma_wait3A_226, %dma_wait3A_227] : memref<4x64x128xf32, #tpu.memory_space<vmem>> -> memref<1x64x128xf32, #tpu.memory_space<vmem>>
      %dma_wait3A_229 = tpu.memref_squeeze %dma_wait3A_228 : memref<1x64x128xf32, #tpu.memory_space<vmem>> -> memref<64x128xf32, #tpu.memory_space<vmem>>
      %dma_wait3A_230 = arith.constant 0 : i32
      %dma_wait3A_231 = tpu.memref_slice %arg10[%run_scoped3A_206, %dma_wait3A_230] : memref<4x64xi32, #tpu.memory_space<vmem>> -> memref<1x64xi32, #tpu.memory_space<vmem>>
      %dma_wait3A_232 = tpu.memref_squeeze %dma_wait3A_231 : memref<1x64xi32, #tpu.memory_space<vmem>> -> memref<64xi32, #tpu.memory_space<vmem>>
      %dma_wait3A_233 = arith.constant 0 : i32
      %dma_wait3A_234 = arith.constant 0 : i32
      %dma_wait3A_235 = tpu.memref_slice %arg13[%dma_wait3A_233, %dma_wait3A_234] : memref<10240x128xf32, #tpu.memory_space<vmem_shared>> -> memref<10240x128xf32, #tpu.memory_space<vmem_shared>>
      tpu.wait_indirect_dma semaphore(%run_scoped3A_215 : memref<!tpu.dma_semaphore, #tpu.memory_space<semaphore_mem>>) src(%dma_wait3A_229 : memref<64x128xf32, #tpu.memory_space<vmem>>) dst(%dma_wait3A_235 : memref<10240x128xf32, #tpu.memory_space<vmem_shared>>)
      tpu.yield
    }) : () -> ()
    %run_scoped3A_207 = arith.constant 3 : i32
    "tpu.region"() ({
      %run_scoped3A_215 = tpu.sem_alloc : memref<!tpu.dma_semaphore, #tpu.memory_space<semaphore_mem>>
      %dma_start3A_216 = arith.constant 0 : i32
      %dma_start3A_217 = tpu.memref_slice %arg10[%run_scoped3A_207, %dma_start3A_216] : memref<4x64xi32, #tpu.memory_space<vmem>> -> memref<1x64xi32, #tpu.memory_space<vmem>>
      %dma_start3A_218 = tpu.memref_squeeze %dma_start3A_217 : memref<1x64xi32, #tpu.memory_space<vmem>> -> memref<64xi32, #tpu.memory_space<vmem>>
      %dma_start3A_219 = arith.constant 0 : i32
      %dma_start3A_220 = tpu.memref_slice %arg14[%dma_start3A_219] : memref<10240xf32, #tpu.memory_space<vmem_shared>> -> memref<10240xf32, #tpu.memory_space<vmem_shared>>
      tpu.enqueue_indirect_dma source(%arg12 : memref<64xf32, #tpu.memory_space<vmem>>) target(%dma_start3A_220 : memref<10240xf32, #tpu.memory_space<vmem_shared>>) offsets(%dma_start3A_218 : memref<64xi32, #tpu.memory_space<vmem>>) semaphore(%run_scoped3A_215 : memref<!tpu.dma_semaphore, #tpu.memory_space<semaphore_mem>>) {add = true}
      %dma_wait3A_221 = arith.constant 0 : i32
      %dma_wait3A_222 = tpu.memref_slice %arg10[%run_scoped3A_207, %dma_wait3A_221] : memref<4x64xi32, #tpu.memory_space<vmem>> -> memref<1x64xi32, #tpu.memory_space<vmem>>
      %dma_wait3A_223 = tpu.memref_squeeze %dma_wait3A_222 : memref<1x64xi32, #tpu.memory_space<vmem>> -> memref<64xi32, #tpu.memory_space<vmem>>
      %dma_wait3A_224 = arith.constant 0 : i32
      %dma_wait3A_225 = tpu.memref_slice %arg14[%dma_wait3A_224] : memref<10240xf32, #tpu.memory_space<vmem_shared>> -> memref<10240xf32, #tpu.memory_space<vmem_shared>>
      tpu.wait_indirect_dma semaphore(%run_scoped3A_215 : memref<!tpu.dma_semaphore, #tpu.memory_space<semaphore_mem>>) src(%arg12 : memref<64xf32, #tpu.memory_space<vmem>>) dst(%dma_wait3A_225 : memref<10240xf32, #tpu.memory_space<vmem_shared>>)
      tpu.yield
    }) : () -> ()
    %barrier3A_208 = arith.constant 0 : index
    tpu.barrier barrier_id(%barrier3A_208)
    %mul3A_209 = arith.constant 10240 : i32
    %mul3A_210 = arith.muli %arg0, %mul3A_209 : i32
    %add3A_211 = arith.addi %mul3A_210, %mul3A_0 : i32
    "tpu.region"() ({
      %run_scoped3A_215 = tpu.sem_alloc : memref<!tpu.dma_semaphore, #tpu.memory_space<semaphore_mem>>
      %dma_start3A_216 = arith.constant 0 : i32
      %dma_start3A_217 = tpu.memref_slice %arg7[%add3A_211, %dma_start3A_216] : memref<20480x128xf32, #tpu.memory_space<hbm>> -> memref<640x128xf32, #tpu.memory_space<hbm>>
      %dma_start3A_218 = arith.constant 0 : i32
      %dma_start3A_219 = tpu.memref_slice %arg13[%mul3A_0, %dma_start3A_218] : memref<10240x128xf32, #tpu.memory_space<vmem_shared>> -> memref<640x128xf32, #tpu.memory_space<vmem_shared>>
      tpu.enqueue_dma source(%dma_start3A_219 : memref<640x128xf32, #tpu.memory_space<vmem_shared>>) target(%dma_start3A_217 : memref<640x128xf32, #tpu.memory_space<hbm>>) target_semaphore(%run_scoped3A_215 : memref<!tpu.dma_semaphore, #tpu.memory_space<semaphore_mem>>)
      %dma_wait3A_220 = arith.constant 0 : i32
      %dma_wait3A_221 = tpu.memref_slice %arg7[%add3A_211, %dma_wait3A_220] : memref<20480x128xf32, #tpu.memory_space<hbm>> -> memref<640x128xf32, #tpu.memory_space<hbm>>
      %dma_wait3A_222 = arith.constant 0 : i32
      %dma_wait3A_223 = tpu.memref_slice %arg13[%mul3A_0, %dma_wait3A_222] : memref<10240x128xf32, #tpu.memory_space<vmem_shared>> -> memref<640x128xf32, #tpu.memory_space<vmem_shared>>
      tpu.wait_dma2 semaphore(%run_scoped3A_215 : memref<!tpu.dma_semaphore, #tpu.memory_space<semaphore_mem>>) src(%dma_wait3A_223 : memref<640x128xf32, #tpu.memory_space<vmem_shared>>) dst(%dma_wait3A_221 : memref<640x128xf32, #tpu.memory_space<hbm>>)
      tpu.yield
    }) : () -> ()
    %mul3A_212 = arith.constant 10240 : i32
    %mul3A_213 = arith.muli %arg0, %mul3A_212 : i32
    %add3A_214 = arith.addi %mul3A_213, %mul3A_0 : i32
    "tpu.region"() ({
      %run_scoped3A_215 = tpu.sem_alloc : memref<!tpu.dma_semaphore, #tpu.memory_space<semaphore_mem>>
      %dma_start3A_216 = tpu.memref_slice %arg8[%add3A_214] : memref<20480xf32, #tpu.memory_space<hbm>> -> memref<640xf32, #tpu.memory_space<hbm>>
      %dma_start3A_217 = tpu.memref_slice %arg14[%mul3A_0] : memref<10240xf32, #tpu.memory_space<vmem_shared>> -> memref<640xf32, #tpu.memory_space<vmem_shared>>
      tpu.enqueue_dma source(%dma_start3A_217 : memref<640xf32, #tpu.memory_space<vmem_shared>>) target(%dma_start3A_216 : memref<640xf32, #tpu.memory_space<hbm>>) target_semaphore(%run_scoped3A_215 : memref<!tpu.dma_semaphore, #tpu.memory_space<semaphore_mem>>)
      %dma_wait3A_218 = tpu.memref_slice %arg8[%add3A_214] : memref<20480xf32, #tpu.memory_space<hbm>> -> memref<640xf32, #tpu.memory_space<hbm>>
      %dma_wait3A_219 = tpu.memref_slice %arg14[%mul3A_0] : memref<10240xf32, #tpu.memory_space<vmem_shared>> -> memref<640xf32, #tpu.memory_space<vmem_shared>>
      tpu.wait_dma2 semaphore(%run_scoped3A_215 : memref<!tpu.dma_semaphore, #tpu.memory_space<semaphore_mem>>) src(%dma_wait3A_219 : memref<640xf32, #tpu.memory_space<vmem_shared>>) dst(%dma_wait3A_218 : memref<640xf32, #tpu.memory_space<hbm>>)
      tpu.yield
    }) : () -> ()
    return
  }
}

module attributes {stable_mosaic.version = 14 : i64} {
  func.func @_tc_body(%arg0: i32, %arg1: memref<1000x256xf32, #tpu.memory_space<vmem>>, %arg2: memref<1000x128xf32, #tpu.memory_space<vmem>>, %arg3: memref<1000x128xf32, #tpu.memory_space<vmem>>, %arg4: memref<1000x1xf32, #tpu.memory_space<vmem>>, %arg5: memref<256x256xf32, #tpu.memory_space<vmem>>, %arg6: memref<1x256xf32, #tpu.memory_space<vmem>>, %arg7: memref<256x256xf32, #tpu.memory_space<vmem>>, %arg8: memref<256x1xf32, #tpu.memory_space<vmem>>, %arg9: memref<1x1xf32, #tpu.memory_space<vmem>>, %arg10: memref<1000x1xf32, #tpu.memory_space<vmem>>) attributes {dimension_semantics = [#tpu.dimension_semantics<arbitrary>], iteration_bounds = array<i64: 10>, scalar_prefetch = 0 : i64, scratch_operands = 0 : i64, tpu.core_type = #tpu.core_type<tc>, window_params = [{transform_indices = @transform_0, window_bounds = array<i64: 1000, 256>}, {transform_indices = @transform_1, window_bounds = array<i64: 1000, 128>}, {transform_indices = @transform_2, window_bounds = array<i64: 1000, 128>}, {transform_indices = @transform_3, window_bounds = array<i64: 1000, 1>}, {pipeline_mode = #tpu.pipeline_mode<synchronous>, transform_indices = @transform_4, window_bounds = array<i64: 256, 256>}, {pipeline_mode = #tpu.pipeline_mode<synchronous>, transform_indices = @transform_5, window_bounds = array<i64: 1, 256>}, {pipeline_mode = #tpu.pipeline_mode<synchronous>, transform_indices = @transform_6, window_bounds = array<i64: 256, 256>}, {pipeline_mode = #tpu.pipeline_mode<synchronous>, transform_indices = @transform_7, window_bounds = array<i64: 256, 1>}, {pipeline_mode = #tpu.pipeline_mode<synchronous>, transform_indices = @transform_8, window_bounds = array<i64: 1, 1>}, {transform_indices = @transform_9, window_bounds = array<i64: 1000, 1>}]} {
    %get3A = arith.constant 0 : index
    %get3A_0 = arith.constant 0 : index
    %get3A_1 = vector.load %arg4[%get3A, %get3A_0] : memref<1000x1xf32, #tpu.memory_space<vmem>>, vector<1000x1xf32>
    %max3A = arith.constant 1.000000e+00 : f32
    %max3A_2 = vector.broadcast %max3A : f32 to vector<1000x1xf32>
    %max3A_3 = arith.maximumf %get3A_1, %max3A_2 : vector<1000x1xf32>
    %div3A = arith.constant 1.000000e+00 : f32
    %div3A_4 = vector.broadcast %div3A : f32 to vector<1000x1xf32>
    %div3A_5 = arith.divf %div3A_4, %max3A_3 : vector<1000x1xf32>
    %get3A_6 = arith.constant 0 : index
    %get3A_7 = arith.constant 0 : index
    %get3A_8 = vector.load %arg2[%get3A_6, %get3A_7] : memref<1000x128xf32, #tpu.memory_space<vmem>>, vector<1000x128xf32>
    %mul3A = vector.broadcast %div3A_5 : vector<1000x1xf32> to vector<1000x128xf32>
    %mul3A_9 = arith.mulf %get3A_8, %mul3A : vector<1000x128xf32>
    %get3A_10 = arith.constant 0 : index
    %get3A_11 = arith.constant 0 : index
    %get3A_12 = vector.load %arg3[%get3A_10, %get3A_11] : memref<1000x128xf32, #tpu.memory_space<vmem>>, vector<1000x128xf32>
    %mul3A_13 = vector.broadcast %div3A_5 : vector<1000x1xf32> to vector<1000x128xf32>
    %mul3A_14 = arith.mulf %get3A_12, %mul3A_13 : vector<1000x128xf32>
    %get3A_15 = arith.constant 0 : index
    %get3A_16 = arith.constant 0 : index
    %get3A_17 = vector.load %arg5[%get3A_15, %get3A_16] : memref<256x256xf32, #tpu.memory_space<vmem>>, vector<128x256xf32>
    %dot_general3A = arith.constant dense<0.000000e+00> : vector<1000x256xf32>
    %dot_general3A_18 = tpu.matmul %mul3A_9, %get3A_17, %dot_general3A {dimension_numbers = #tpu.dot_dimension_numbers<[1], [0], [0], [1], [0, 0, 1, 1], [], []>, transpose_lhs_hint = false} : vector<1000x128xf32>, vector<128x256xf32>, vector<1000x256xf32> -> vector<1000x256xf32>
    %get3A_19 = arith.constant 128 : index
    %get3A_20 = arith.constant 0 : index
    %get3A_21 = vector.load %arg5[%get3A_19, %get3A_20] : memref<256x256xf32, #tpu.memory_space<vmem>>, vector<128x256xf32>
    %dot_general3A_22 = arith.constant dense<0.000000e+00> : vector<1000x256xf32>
    %dot_general3A_23 = tpu.matmul %mul3A_14, %get3A_21, %dot_general3A_22 {dimension_numbers = #tpu.dot_dimension_numbers<[1], [0], [0], [1], [0, 0, 1, 1], [], []>, transpose_lhs_hint = false} : vector<1000x128xf32>, vector<128x256xf32>, vector<1000x256xf32> -> vector<1000x256xf32>
    %add3A = arith.addf %dot_general3A_18, %dot_general3A_23 : vector<1000x256xf32>
    %get3A_24 = arith.constant 0 : index
    %get3A_25 = arith.constant 0 : index
    %get3A_26 = vector.load %arg1[%get3A_24, %get3A_25] : memref<1000x256xf32, #tpu.memory_space<vmem>>, vector<1000x256xf32>
    %get3A_27 = arith.constant 0 : index
    %get3A_28 = arith.constant 0 : index
    %get3A_29 = vector.load %arg7[%get3A_27, %get3A_28] : memref<256x256xf32, #tpu.memory_space<vmem>>, vector<256x256xf32>
    %dot_general3A_30 = arith.constant dense<0.000000e+00> : vector<1000x256xf32>
    %dot_general3A_31 = tpu.matmul %get3A_26, %get3A_29, %dot_general3A_30 {dimension_numbers = #tpu.dot_dimension_numbers<[1], [0], [0], [1], [0, 0, 1, 1], [], []>, transpose_lhs_hint = false} : vector<1000x256xf32>, vector<256x256xf32>, vector<1000x256xf32> -> vector<1000x256xf32>
    %add3A_32 = arith.addf %add3A, %dot_general3A_31 : vector<1000x256xf32>
    %get3A_33 = arith.constant 0 : index
    %get3A_34 = arith.constant 0 : index
    %get3A_35 = vector.load %arg6[%get3A_33, %get3A_34] : memref<1x256xf32, #tpu.memory_space<vmem>>, vector<1x256xf32>
    %add3A_36 = vector.broadcast %get3A_35 : vector<1x256xf32> to vector<1000x256xf32>
    %add3A_37 = arith.addf %add3A_32, %add3A_36 : vector<1000x256xf32>
    %max3A_38 = arith.constant 0.000000e+00 : f32
    %max3A_39 = vector.broadcast %max3A_38 : f32 to vector<1000x256xf32>
    %max3A_40 = arith.maximumf %add3A_37, %max3A_39 : vector<1000x256xf32>
    %get3A_41 = arith.constant 0 : index
    %get3A_42 = arith.constant 0 : index
    %get3A_43 = vector.load %arg8[%get3A_41, %get3A_42] : memref<256x1xf32, #tpu.memory_space<vmem>>, vector<256x1xf32>
    %dot_general3A_44 = arith.constant dense<0.000000e+00> : vector<1000x1xf32>
    %dot_general3A_45 = tpu.matmul %max3A_40, %get3A_43, %dot_general3A_44 {dimension_numbers = #tpu.dot_dimension_numbers<[1], [0], [0], [1], [0, 0, 1, 1], [], []>, transpose_lhs_hint = false} : vector<1000x256xf32>, vector<256x1xf32>, vector<1000x1xf32> -> vector<1000x1xf32>
    %get3A_46 = arith.constant 0 : index
    %get3A_47 = arith.constant 0 : index
    %get3A_48 = vector.load %arg9[%get3A_46, %get3A_47] : memref<1x1xf32, #tpu.memory_space<vmem>>, vector<1x1xf32>
    %add3A_49 = vector.broadcast %get3A_48 : vector<1x1xf32> to vector<1000x1xf32>
    %add3A_50 = arith.addf %dot_general3A_45, %add3A_49 : vector<1000x1xf32>
    %swap3A = arith.constant 0 : index
    %swap3A_51 = arith.constant 0 : index
    %swap3A_52 = vector.load %arg10[%swap3A, %swap3A_51] : memref<1000x1xf32, #tpu.memory_space<vmem>>, vector<1000x1xf32>
    tpu.vector_store %arg10[%swap3A, %swap3A_51], %add3A_50 {strides = array<i32>} : memref<1000x1xf32, #tpu.memory_space<vmem>>, vector<1000x1xf32>,
    return
  }
  func.func @transform_0(%arg0: i32) -> (i32, i32) {
    %c0_i32 = arith.constant 0 : i32
    %c0_i32_0 = arith.constant 0 : i32
    return %arg0, %c0_i32 : i32, i32
  }
  func.func @transform_1(%arg0: i32) -> (i32, i32) {
    %c0_i32 = arith.constant 0 : i32
    %c0_i32_0 = arith.constant 0 : i32
    return %arg0, %c0_i32 : i32, i32
  }
  func.func @transform_2(%arg0: i32) -> (i32, i32) {
    %c0_i32 = arith.constant 0 : i32
    %c0_i32_0 = arith.constant 0 : i32
    return %arg0, %c0_i32 : i32, i32
  }
  func.func @transform_3(%arg0: i32) -> (i32, i32) {
    %c0_i32 = arith.constant 0 : i32
    %c0_i32_0 = arith.constant 0 : i32
    return %arg0, %c0_i32 : i32, i32
  }
  func.func @transform_4(%arg0: i32) -> (i32, i32) {
    %c0_i32 = arith.constant 0 : i32
    %c0_i32_0 = arith.constant 0 : i32
    %c0_i32_1 = arith.constant 0 : i32
    return %c0_i32, %c0_i32_0 : i32, i32
  }
  func.func @transform_5(%arg0: i32) -> (i32, i32) {
    %c0_i32 = arith.constant 0 : i32
    %c0_i32_0 = arith.constant 0 : i32
    %c0_i32_1 = arith.constant 0 : i32
    return %c0_i32, %c0_i32_0 : i32, i32
  }
  func.func @transform_6(%arg0: i32) -> (i32, i32) {
    %c0_i32 = arith.constant 0 : i32
    %c0_i32_0 = arith.constant 0 : i32
    %c0_i32_1 = arith.constant 0 : i32
    return %c0_i32, %c0_i32_0 : i32, i32
  }
  func.func @transform_7(%arg0: i32) -> (i32, i32) {
    %c0_i32 = arith.constant 0 : i32
    %c0_i32_0 = arith.constant 0 : i32
    %c0_i32_1 = arith.constant 0 : i32
    return %c0_i32, %c0_i32_0 : i32, i32
  }
  func.func @transform_8(%arg0: i32) -> (i32, i32) {
    %c0_i32 = arith.constant 0 : i32
    %c0_i32_0 = arith.constant 0 : i32
    %c0_i32_1 = arith.constant 0 : i32
    return %c0_i32, %c0_i32_0 : i32, i32
  }
  func.func @transform_9(%arg0: i32) -> (i32, i32) {
    %c0_i32 = arith.constant 0 : i32
    %c0_i32_0 = arith.constant 0 : i32
    return %arg0, %c0_i32 : i32, i32
  }
}

</mosaic_0001>

<sc_bundles>
// kernel: kernel.4.cloned.1.call-start
scs
__scs_entry_jumppad:
0x0: {  	(pc) =	sbr.rel $0x88, $3  }
0x1: {  	(tag) =	ssettag $0x0;
	lr =	simm.s32 $0x1  }
0x2: {  	[smem:$0x3F9A] =	sst lr;
	_ =	strace $0xD0000000  }
0x3: {  	_ = 	snop  }
0x4: {  	_ = 	snop  }
0x5: {  	_ = 	snop  }
0x6: {  	_ = 	snop  }
0x7: {  	_ = 	snop  }
__scs_overlays_trampoline_lowered:
0x8: {  	[smem:$0x3FA9] =	sst s0  }
0x9: {  	[smem:$0x3FAA] =	sst s1  }
0xa: {  	[smem:$0x3FAB] =	sst s2  }
0xb: {  	[smem:$0x3FAC] =	sst s3  }
0xc: {  	[smem:$0x3FAD] =	sst s4  }
0xd: {  	[smem:$0x3FAE] =	sst s5  }
0xe: {  	[smem:$0x3FAF] =	sst s6  }
0xf: {  	[smem:$0x3FB0] =	sst s7  }
0x10: {  	[smem:$0x3FB1] =	sst s8  }
0x11: {  	[smem:$0x3FB2] =	sst s9;
	s0 =	simm.s32 @!p0 $0x0  }
0x12: {  	s1 =	sld [smem:$0x3F98];
	s0 =	simm.s32 @p0 $0x1  }
0x13: {  	[smem:$0x3FB3] =	sst s0;
	s0 =	simm.s32 @!p1 $0x0  }
0x14: {  	s2 =	sld [smem:$0x3F97];
	s0 =	simm.s32 @p1 $0x1  }
0x15: {  	[smem:$0x3FB4] =	sst s0;
	s0 =	simm.s32 @!p2 $0x0  }
0x16: {  	s3 =	sld [smem:$0x3FDB];
	s0 =	simm.s32 @p2 $0x1  }
0x17: {  	s4 =	simm.s32 $0x1BF5;
	[smem:$0x3FB6] =	sst s0  }
0x18: {  	s0 =	sld [smem:$0x3F99];
	_ =	swait.ge [sflag:s4], $0x0  }
0x19: {  	s7 =	sld [smem:$0x3F9A]  }
0x1a: {  	s8 =	sadd.s32 $0xFFFFE003, lr  }
0x1b: {  	s9 =	sadd.s32 $0xFFFFFEF7, lr;
	s5 =	simm.s32 $0xFFFFFFFF;
	p2 =	slt.u32 s8, $0xFFFFF086  }
0x1c: {  	p1 =	slt.u32 s9, $0xF7A;
	s5 =	simm.s32 @!p2 $0x0  }
0x1d: {  	s5 =	simm.s32 @p1 $0x1;
	p0 =	seq.s32 s7, s2  }
0x1e: {  	s7 =	smul.u32 @!p0 $0xF7A, s2;
	p2 =	seq.s32 @!p0 s5, $0x0  }
0x1f: {  	s9 =	smul.u32 $0xF7A, s1;
	s8 =	simm.s32 @!p0 $0x1BF5;
	p2 =	por !p2, p0  }
0x20: {  	[sflag:s8] =	ssyncset.s32 @!p0 $0xFFFFF086;
	s6 =	sadd.s32 @!p0 s3, s7;
	s7 =	simm.s32 @!p0 $0x108  }
0x21: {  	s3 =	sadd.s32 s3, s9;
	s6 =	sadd.s32 @!p0 $0x88, s6;
	s7 =	simm.s32 @p2 $0x1082  }
0x22: {  	[simem:s7], [sflag:s8] =	dma.local @!p0 [hbm:s6], $0xF7A  }
0x23: {  	s9 =	sor.u32 $0xD0000000, s2;
	s6 =	simm.s32 $0x108;
	_ =	swait.ge @!p0 [sflag:s8], $0x0  }
0x24: {  	s3 =	sadd.s32 $0x88, s3;
	s6 =	simm.s32 @!p1 $0x1082;
	[sflag:s4] =	ssyncset.s32 $0xFFFFF086  }
0x25: {  	[simem:s6], [sflag:s4] =	dma.local [hbm:s3], $0xF7A  }
0x26: {  	[smem:$0x3F9A] =	sst s1;
	(tag) =	ssettag s2;
	_ =	strace s9  }
0x27: {  	s1 =	sld [smem:$0x3FAA]  }
0x28: {  	s2 =	sld [smem:$0x3FAB]  }
0x29: {  	s4 =	sld [smem:$0x3FAD]  }
0x2a: {  	p0 =	seq.s32 s5, $0x0;
	s5 =	sld [smem:$0x3FAE]  }
0x2b: {  	s6 =	sld [smem:$0x3FAF]  }
0x2c: {  	s7 =	sld [smem:$0x3FB0]  }
0x2d: {  	s3 =	simm.s32 $0x108;
	s8 =	sld [smem:$0x3FB1]  }
0x2e: {  	s3 =	simm.s32 @!p0 $0x1082;
	s9 =	sld [smem:$0x3FB2]  }
0x2f: {  	lr =	sadd.s32 s0, s3;
	s0 =	sld [smem:$0x3FA9]  }
0x30: {  	s3 =	sld [smem:$0x3FAC]  }
0x31: {  	[smem:$0x3FB5] =	sst s10  }
0x32: {  	s10 =	sld [smem:$0x3FB3];
	_ =	sdelay $0x3  }
0x33: {  	p0 =	seq.s32 s10, $0x1;
	s10 =	sld [smem:$0x3FB5];
	_ =	sdelay $0x3  }
0x34: {  	[smem:$0x3FB5] =	sst s10  }
0x35: {  	s10 =	sld [smem:$0x3FB4];
	_ =	sdelay $0x3  }
0x36: {  	p1 =	seq.s32 s10, $0x1;
	s10 =	sld [smem:$0x3FB5];
	_ =	sdelay $0x3  }
0x37: {  	[smem:$0x3FB5] =	sst s10  }
0x38: {  	s10 =	sld [smem:$0x3FB6]  }
0x39: {  	_ = 	snop;
	(pc) =	sbr.ind lr, $3  }
0x3a: {  	_ = 	snop  }
0x3b: {  	_ = 	snop  }
0x3c: {  	p2 =	seq.s32 s10, $0x1;
	s10 =	sld [smem:$0x3FB5]  }
0x3d: {  	_ =	shalt  }
0x3e: {  	_ =	shalt  }
0x3f: {  	_ =	shalt  }
0x40: {  	_ =	shalt  }
0x41: {  	_ =	shalt  }
0x42: {  	_ =	shalt  }
0x43: {  	_ =	shalt  }
0x44: {  	_ =	shalt  }
0x45: {  	_ =	shalt  }
0x46: {  	_ =	shalt  }
0x47: {  	_ =	shalt  }
0x48: {  	_ =	shalt  }
0x49: {  	_ =	shalt  }
0x4a: {  	_ =	shalt  }
0x4b: {  	_ =	shalt  }
0x4c: {  	_ =	shalt  }
0x4d: {  	_ =	shalt  }
0x4e: {  	_ =	shalt  }
0x4f: {  	_ =	shalt  }
0x50: {  	_ =	shalt  }
0x51: {  	_ =	shalt  }
0x52: {  	_ =	shalt  }
0x53: {  	_ =	shalt  }
0x54: {  	_ =	shalt  }
0x55: {  	_ =	shalt  }
0x56: {  	_ =	shalt  }
0x57: {  	_ =	shalt  }
0x58: {  	_ =	shalt  }
0x59: {  	_ =	shalt  }
0x5a: {  	_ =	shalt  }
0x5b: {  	_ =	shalt  }
0x5c: {  	_ =	shalt  }
0x5d: {  	_ =	shalt  }
0x5e: {  	_ =	shalt  }
0x5f: {  	_ =	shalt  }
0x60: {  	_ =	shalt  }
0x61: {  	_ =	shalt  }
0x62: {  	_ =	shalt  }
0x63: {  	_ =	shalt  }
0x64: {  	_ =	shalt  }
0x65: {  	_ =	shalt  }
0x66: {  	_ =	shalt  }
0x67: {  	_ =	shalt  }
0x68: {  	_ =	shalt  }
0x69: {  	_ =	shalt  }
0x6a: {  	_ =	shalt  }
0x6b: {  	_ =	shalt  }
0x6c: {  	_ =	shalt  }
0x6d: {  	_ =	shalt  }
0x6e: {  	_ =	shalt  }
0x6f: {  	_ =	shalt  }
0x70: {  	_ =	shalt  }
0x71: {  	_ =	shalt  }
0x72: {  	_ =	shalt  }
0x73: {  	_ =	shalt  }
0x74: {  	_ =	shalt  }
0x75: {  	_ =	shalt  }
0x76: {  	_ =	shalt  }
0x77: {  	_ =	shalt  }
0x78: {  	_ =	shalt  }
0x79: {  	_ =	shalt  }
0x7a: {  	_ =	shalt  }
0x7b: {  	_ =	shalt  }
0x7c: {  	_ =	shalt  }
0x7d: {  	_ =	shalt  }
0x7e: {  	_ =	shalt  }
0x7f: {  	_ =	shalt  }
0x80: {  	_ =	shalt  }
0x81: {  	_ =	shalt  }
0x82: {  	_ =	shalt  }
0x83: {  	_ =	shalt  }
0x84: {  	_ =	shalt  }
0x85: {  	_ =	shalt  }
0x86: {  	_ =	shalt  }
0x87: {  	_ =	shalt  }
.Lfunc_end0:
.L_simem_size_0:
called_computation_lowered:
.L_overlay_start_0:
0x88: {  	s2 =	sld [smem:$0x3FD9]  }
0x89: {  	s3 =	sld [smem:$0x3FFE];
	_ =	sdelay $0x1  }
0x8a: {  	s1 =	srdreg.scid  }
0x8b: {  	s0 =	sand.u32 $0x1, s1  }
0x8c: {  	s17 =	sshll.u32 s0, $0xA;
	s2 =	sadd.s32 s3, s2  }
0x8d: {  	s2 =	sadd.s32 s2, s17  }
0x8e: {  	[smem:$0x3FC1] =	sst s2  }
0x8f: {  	_ = 	snop  }
0x90: {  	s2 =	sld [smem:$0x3FD0];
	(tm) =	ssettm $0x1  }
0x91: {  	s18 =	sld [smem:$0x3FFB];
	_ =	sdelay $0x3  }
0x92: {  	_ =	strace s18  }
0x93: {  	s3 =	sld [smem:$0x3FFC];
	_ =	sdelay $0x3  }
0x94: {  	_ =	strace s3  }
0x95: {  	s3 =	sld [smem:$0x3FFD];
	_ =	sdelay $0x3  }
0x96: {  	_ =	strace s3  }
0x97: {  	_ =	strace $0x8FFFFFFF  }
0x98: {  	s19 =	sld [smem:$0x3FDB];
	_ =	sdelay $0x1  }
0x99: {  	s4 =	simm.s32 $_scs_section_size  }
0x9a: {  	s5 =	simm.s32 $_size__tile_overlayer_lowered;
	s6 =	simm.s32 $_tile_overlayer_lowered  }
0x9b: {  	s22 =	simm.s32 $0x1BFF;
	s21 =	sshll.u32 s6, $0x1;
	s3 =	sadd.s32 s4, s19  }
0x9c: {  	s7 =	simm.s32 $0x0;
	s20 =	sshll.u32 s5, $0x1;
	s5 =	sadd.s32 s21, s3  }
0x9d: {  	[timem:s7], [sflag:s22] =	dma.local [hbm:s5], s20  }
0x9e: {  	_ =	swait.ge [sflag:s22], s20  }
0x9f: {  	s4 =	ssub.s32 $0x0, s20;
	[sflag:s22] =	ssyncset.done $0x0  }
0xa0: {  	[sflag:s22] =	ssyncadd.s32 s4;
	_ =	sdelay $0x1  }
0xa1: {  	s23 =	simm.s32 $0x1B8B  }
0xa2: {  	_ =	swait.ge [sflag:s23], $0x1  }
0xa3: {  	[sflag:s23] =	ssyncset.done $0x0  }
0xa4: {  	s25 =	simm.s32 $0x1B8E;
	s24 =	sld [smem:$0x3FFE];
	[sflag:s23] =	ssyncadd.s32 $0xFFFFFFFF  }
0xa5: {  	s26 =	simm.s32 $execute0_lowered;
	[smem:$0x3FD2] =	sst s25  }
0xa6: {  	s5 =	sshll.u32 s26, $0x1;
	_ =	strace $0x80000046;
	[dreg:$0x1] =	wrdreg $0xFFFFFFFF  }
0xa7: {  	s28 =	simm.s32 $_size_execute0_lowered;
	s3 =	sadd.s32 s3, s5;
	[dreg:$0x0] =	wrdreg $0x0  }
0xa8: {  	s5 =	sshll.u32 s28, $0x1;
	[dreg:$0x2] =	wrdreg s3  }
0xa9: {  	[dreg:$0x3] =	wrdreg s5  }
0xaa: {  	[dreg:$0x4] =	wrdreg $0xC0  }
0xab: {  	_ =	task [dreg:s7], $0x5FFFF  }
0xac: {  	[dreg:$0x1] =	wrdreg $0xFFFFFFFF  }
0xad: {  	[dreg:$0x0] =	wrdreg $0x60  }
0xae: {  	[dreg:$0x2] =	wrdreg s24  }
0xaf: {  	[dreg:$0x3] =	wrdreg s2  }
0xb0: {  	[dreg:$0x4] =	wrdreg $0xAA800  }
0xb1: {  	[dreg:$0x5] =	wrdreg $0x1EA800  }
0xb2: {  	[dreg:$0x6] =	wrdreg $0x9  }
0xb3: {  	_ =	task.clear_ibuf [dreg:s7], $0x7FFFF;
	_ =	strace $0x90000046  }
0xb4: {  	s29 =	simm.s32 $0x9;
	_ =	strace $0x80000048  }
0xb5: {  	_ =	swait.ge [sflag:s29], $0x1  }
0xb6: {  	[sflag:s29] =	ssyncadd.s32 $0xFFFFFFFF  }
0xb7: {  	_ =	strace $0x90000048  }
0xb8: {  	_ =	sfence  }
0xb9: {  	s30 =	sld [smem:$0x0];
	_ =	sdelay $0x2  }
0xba: {  	s31 =	sshll.u32 s1, $0xD;
	s1 =	sshrl.u32 s1, $0x2  }
0xbb: {  	s3 =	sand.u32 $0x4000, s31;
	s1 =	sadd.s32 s1, s30  }
0xbc: {  	s0 =	sor.u32 s3, s0;
	s1 =	sshll.u32 s1, $0x11  }
0xbd: {  	s0 =	sor.u32 s1, s0  }
0xbe: {  	s0 =	sadd.s32 $0x8F2B, s0  }
0xbf: {  	[sflag:s0] =	ssyncadd.remote.s32 $0x1  }
0xc0: {  	_ =	sfence.sel $0xFFFF  }
0xc1: {  	[dreg:$0x0] =	wrdreg $0xFFFFFFFF;
	(pc) =	sbr.abs _section_cstart, $3  }
0xc2: {  	[dreg:$0x1] =	wrdreg $0xFFFFFFFF  }
0xc3: {  	_ =	task.clear_ibuf [dreg:s7], $0x2FFFF;
	_ =	strace $0x9FFFFFFF  }
0xc4: {  	(tm) =	ssettm $0x7FFFFFFF  }
0xc5: {  	_ =	shalt  }
tec
execute0_lowered:
.L_overlay_start_1:
0x0: {  	(tag) =	ssettag $0x1  }
0x1: {  	s0 =	rddreg [dreg:$0x0]  }
0x2: {  	s3 =	rddreg [dreg:$0x2]  }
0x3: {  	s4 =	rddreg [dreg:$0x3];
	s16 =	stileid.u32  }
0x4: {  	s5 =	simm.s32 $0x0;
	s2 =	srdreg.scid;
	s28 =	simm.s32 $0x4A00  }
0x5: {  	s29 =	simm.s32 $0x2900;
	s31 =	simm.s32 $0x6A00;
	s1 =	smul.u32 $0x2800, s16  }
0x6: {  	s30 =	simm.s32 $0x1;
	[smem:$0x7FF] =	sst s5;
	s7 =	smul.u32 $0x280, s16  }
0x7: {  	s10 =	sand.u32 $0x1, s2;
	s6 =	sadd.s32 $0xC00, s0;
	s14 =	smul.u32 $0x50000, s16  }
0x8: {  	s9 =	sadd.s32 $0x4EE00, s0;
	s18 =	sshll.u32 s16, $0x6;
	s21 =	smul.u32 $0x500, s16  }
0x9: {  	_ =	strace $0x80000047;
	s2 =	smul.u32 $0x2800, s10;
	s13 =	ssub.s32 $0x2, s10  }
0xa: {  	s8 =	sshrl.u32 s7, $0x3;
	s11 =	sadd.s32 s1, s0;
	s25 =	sshrl.u32 s13, $0x1  }
0xb: {  	s1 =	sshrl.u32 s1, $0x3;
	s12 =	sadd.s32 s8, s0;
	s2 =	sadd.s32 s7, s2  }
0xc: {  	s26 =	ssub.s32 s13, s25;
	s13 =	sshrl.u32 s14, $0x2;
	s17 =	sadd.s32 $0x58E00, s11  }
0xd: {  	s8 =	sor.u32 $0x1C09, s18;
	s7 =	sadd.s32 s7, s4;
	s20 =	sadd.s32 s9, s1  }
0xe: {  	s1 =	sadd.s32 s21, s9;
	s9 =	simm.s32 $0x6;
	s24 =	sshll.u32 s2, $0x4  }
0xf: {  	s2 =	sshrl.u32 s2, $0x3;
	s14 =	sadd.s32 s13, s3;
	[dreg:$0x5] =	wrdreg s17  }
0x10: {  	s19 =	sadd.s32 $0x80E00, s12;
	s22 =	sadd.s32 $0x5000, s20;
	s23 =	sadd.s32 $0x5008, s20  }
0x11: {  	[dreg:$0x7] =	wrdreg s20;
	s11 =	sadd.s32 $0x5018, s20;
	s26 =	smax.u32 s26, $0x1  }
0x12: {  	s18 =	sadd.s32 $0x5020, s1;
	s17 =	sshrl.u32 s7, $0x3;
	[dreg:$0x6] =	wrdreg s19  }
0x13: {  	s1 =	simm.s32 $0x5;
	s7 =	simm.s32 $0x2;
	[dreg:$0x8] =	wrdreg s22  }
0x14: {  	s12 =	simm.s32 $0x7;
	s13 =	simm.s32 $0x4;
	[dreg:$0x9] =	wrdreg s23  }
0x15: {  	s15 =	sadd.s32 s24, s0;
	s0 =	sadd.s32 s2, s0;
	[dreg:$0xb] =	wrdreg s11  }
0x16: {  	s24 =	sadd.s32 $0x5010, s20;
	[dreg:$0xe] =	wrdreg s26;
	s16 =	sshrl.u32 s14, $0x3  }
0x17: {  	s20 =	simm.s32 $0x9;
	s22 =	simm.s32 $0xAA00;
	s23 =	simm.s32 $0x2800  }
0x18: {  	s26 =	simm.s32 $0x2880;
	s2 =	simm.s32 $0x8A00;
	[dreg:$0x10] =	wrdreg s17  }
0x19: {  	s11 =	simm.s32 $0x3;
	s14 =	simm.s32 $0x8;
	[dreg:$0xa] =	wrdreg s24  }
0x1a: {  	s25 =	sadd.s32 $0x81400, s15;
	s0 =	sadd.s32 $0xD1400, s0;
	[dreg:$0xf] =	wrdreg s16  }
0x1b: {  	s24 =	simm.s32 $0x40;
	s15 =	simm.s32 $0x0;
	[dreg:$0xc] =	wrdreg s25  }
0x1c: {  	v0 =	vmov s10;
	[dreg:$0xd] =	wrdreg s0;
	s25 =	simm.s32 $0x2A00;
	s0 =	simm.s32 $0x2980  }
.LBB2_1:
0x1d: {  	s10 =	rddreg [dreg:$0x5]  }
0x1e: {  	[spmem:s16], [sflag:s8] =	dma.local [hbm:s10], $0x2800  }
0x1f: {  	_ =	swait.ge [sflag:s20], $0x2800  }
0x20: {  	[sflag:s20] =	ssyncset.done $0x0  }
0x21: {  	s16 =	rddreg [dreg:$0x6];
	[sflag:s20] =	ssyncadd.s32 $0xFFFFD800  }
0x22: {  	[spmem:s17], [sflag:s8] =	dma.local [hbm:s16], $0x50  }
0x23: {  	_ =	swait.ge [sflag:s20], $0x50  }
0x24: {  	[sflag:s20] =	ssyncset.done $0x0  }
0x25: {  	[sflag:s20] =	ssyncadd.s32 $0xFFFFFFB0  }
0x26: {  	s19 =	rddreg [dreg:$0x1]  }
0x27: {  	[tilespmem:s22], [sflag:$0x9] =	stream.linear.gather [hbm4b:s19+s5], $0x80, $0x38;
	[tilespmem:$0x1ED00] =	vst v63  }
0x28: {  	_ =	swait.ge [sflag:s20], $0x80  }
0x29: {  	[sflag:s20] =	ssyncset.done $0x0  }
0x2a: {  	s21 =	rddreg [dreg:$0x7];
	[sflag:s20] =	ssyncadd.s32 $0xFFFFFF80  }
0x2b: {  	[tilespmem:s5], [sflag:$0x9] =	stream.linear.gather [hbm4b:s21+s5], $0x2800, $0x38;
	[tilespmem:$0x1ED00] =	vst v63  }
0x2c: {  	_ =	swait.ge [sflag:s20], $0x2800  }
0x2d: {  	[sflag:s20] =	ssyncset.done $0x0  }
0x2e: {  	s10 =	simm.s32 $0x0;
	s16 =	simm.s32 $0x40;
	[sflag:s20] =	ssyncadd.s32 $0xFFFFD800  }
.LBB2_2:
0x2f: {  	p0 =	sne.s32 s16, $0x9FC0;
	v1 =	vld [tilespmem:s10+$0x0];
	_ =	sdelay $0x2  }
.Ltmp0:
0x30: {  	(pc) =	sbr.rel @p0 .LBB2_2-.Ltmp0, $4  }
0x31: {  	_ = 	snop  }
0x32: {  	v1 =	vshll.u32 v1, $0x1  }
0x33: {  	v1 =	vor.u32 v0, v1  }
0x34: {  	[tilespmem:s10+$0x0] =	vst v1;
	s10 =	sshra.s32 s16, $0x2;
	s16 =	sadd.s32 $0x40, s16  }
0x35: {  	v1 =	vld [tilespmem:s10+$0x0];
	_ =	sdelay $0x4  }
0x36: {  	v1 =	vshll.u32 v1, $0x1  }
0x37: {  	v1 =	vor.u32 v0, v1  }
0x38: {  	[tilespmem:s10+$0x0] =	vst v1  }
0x39: {  	[bflag:$0x0] =	sbarrier.arrive $0xFFFF  }
0x3a: {  	s10 =	simm.s32 $0x0;
	s16 =	rddreg [dreg:$0x8]  }
0x3b: {  	[tilespmem:s23], [sflag:$0x5] =	stream.linear.gather [hbm4b:s16+s10], $0x40, $0x38;
	[tilespmem:$0x1ED00] =	vst v63  }
0x3c: {  	_ = 	snop  }
0x3d: {  	[tilespmem:s25], [sflag:$0x1] =	stream.indirect.gather [hbm4b:s6+s24], $0x80, s10, s24, $0xb8;
	[tilespmem:$0x1ED00] =	vst v63  }
0x3e: {  	s21 =	rddreg [dreg:$0x9]  }
0x3f: {  	[tilespmem:s26], [sflag:$0x6] =	stream.linear.gather [hbm4b:s21+s10], $0x40, $0x38;
	[tilespmem:$0x1ED00] =	vst v63  }
0x40: {  	_ = 	snop  }
0x41: {  	[tilespmem:s28], [sflag:$0x2] =	stream.indirect.gather [hbm4b:s6+s24], $0x80, s24, s24, $0xb8;
	[tilespmem:$0x1ED00] =	vst v63  }
0x42: {  	s17 =	rddreg [dreg:$0xa]  }
0x43: {  	[tilespmem:s29], [sflag:$0x7] =	stream.linear.gather [hbm4b:s17+s10], $0x40, $0x38;
	[tilespmem:$0x1ED00] =	vst v63  }
0x44: {  	s19 =	simm.s32 $0x80  }
0x45: {  	[tilespmem:s31], [sflag:$0x3] =	stream.indirect.gather [hbm4b:s6+s24], $0x80, s19, s24, $0xb8;
	[tilespmem:$0x1ED00] =	vst v63  }
0x46: {  	s21 =	rddreg [dreg:$0xb]  }
0x47: {  	[tilespmem:s0], [sflag:$0x8] =	stream.linear.gather [hbm4b:s21+s10], $0x40, $0x38;
	[tilespmem:$0x1ED00] =	vst v63  }
0x48: {  	s16 =	simm.s32 $0xC0  }
0x49: {  	[tilespmem:s2], [sflag:$0x4] =	stream.indirect.gather [hbm4b:s6+s24], $0x80, s16, s24, $0xb8;
	[tilespmem:$0x1ED00] =	vst v63  }
0x4a: {  	_ =	swait.ge [sflag:s30], $0x2000  }
0x4b: {  	[sflag:s30] =	ssyncset.done $0x0  }
0x4c: {  	[sflag:s30] =	ssyncadd.s32 $0xFFFFE000  }
0x4d: {  	_ =	swait.ge [sflag:s1], $0x40  }
0x4e: {  	[sflag:s1] =	ssyncset.done $0x0  }
0x4f: {  	[sflag:s1] =	ssyncadd.s32 $0xFFFFFFC0  }
0x50: {  	[spmem:s3] =	stream.indirect.scatter.add.f32 [tilespmem:s25], [sflag:$0x9], $0x80, s23, s24, $0xb8;
	[tilespmem:$0x1ED00] =	vst v63  }
0x51: {  	_ =	swait.ge [sflag:s20], $0x2000  }
0x52: {  	[sflag:s20] =	ssyncset.done $0x0  }
0x53: {  	[sflag:s20] =	ssyncadd.s32 $0xFFFFE000  }
0x54: {  	[spmem:s4] =	stream.indirect.scatter.add.f32 [tilespmem:s22], [sflag:$0x9], $0x1, s23, s24, $0xb8;
	[tilespmem:$0x1ED00] =	vst v63  }
0x55: {  	_ =	swait.ge [sflag:s20], $0x40  }
0x56: {  	[sflag:s20] =	ssyncset.done $0x0  }
0x57: {  	[sflag:s20] =	ssyncadd.s32 $0xFFFFFFC0  }
0x58: {  	[tilespmem:s23], [sflag:$0x5] =	stream.linear.gather [hbm4b:s18+s5], $0x40, $0x38;
	[tilespmem:$0x1ED00] =	vst v63  }
0x59: {  	s17 =	simm.s32 $0x100  }
0x5a: {  	[tilespmem:s25], [sflag:$0x1] =	stream.indirect.gather [hbm4b:s6+s24], $0x80, s17, s24, $0xb8;
	[tilespmem:$0x1ED00] =	vst v63  }
0x5b: {  	_ =	swait.ge [sflag:s7], $0x2000  }
0x5c: {  	[sflag:s7] =	ssyncset.done $0x0  }
0x5d: {  	[sflag:s7] =	ssyncadd.s32 $0xFFFFE000  }
0x5e: {  	_ =	swait.ge [sflag:s9], $0x40  }
0x5f: {  	[sflag:s9] =	ssyncset.done $0x0  }
0x60: {  	[sflag:s9] =	ssyncadd.s32 $0xFFFFFFC0  }
0x61: {  	[spmem:s3] =	stream.indirect.scatter.add.f32 [tilespmem:s28], [sflag:$0x9], $0x80, s26, s24, $0xb8;
	[tilespmem:$0x1ED00] =	vst v63  }
0x62: {  	_ =	swait.ge [sflag:s20], $0x2000  }
0x63: {  	[sflag:s20] =	ssyncset.done $0x0  }
0x64: {  	[sflag:s20] =	ssyncadd.s32 $0xFFFFE000  }
0x65: {  	[spmem:s4] =	stream.indirect.scatter.add.f32 [tilespmem:s22], [sflag:$0x9], $0x1, s26, s24, $0xb8;
	[tilespmem:$0x1ED00] =	vst v63  }
0x66: {  	_ =	swait.ge [sflag:s20], $0x40  }
0x67: {  	[sflag:s20] =	ssyncset.done $0x0  }
0x68: {  	s19 =	sadd.s32 $0x8, s18;
	[sflag:s20] =	ssyncadd.s32 $0xFFFFFFC0  }
0x69: {  	[tilespmem:s26], [sflag:$0x6] =	stream.linear.gather [hbm4b:s19+s5], $0x40, $0x38;
	[tilespmem:$0x1ED00] =	vst v63  }
0x6a: {  	s21 =	simm.s32 $0x140  }
0x6b: {  	[tilespmem:s28], [sflag:$0x2] =	stream.indirect.gather [hbm4b:s6+s24], $0x80, s21, s24, $0xb8;
	[tilespmem:$0x1ED00] =	vst v63  }
0x6c: {  	_ =	swait.ge [sflag:s11], $0x2000  }
0x6d: {  	[sflag:s11] =	ssyncset.done $0x0  }
0x6e: {  	[sflag:s11] =	ssyncadd.s32 $0xFFFFE000  }
0x6f: {  	_ =	swait.ge [sflag:s12], $0x40  }
0x70: {  	[sflag:s12] =	ssyncset.done $0x0  }
0x71: {  	[sflag:s12] =	ssyncadd.s32 $0xFFFFFFC0  }
0x72: {  	[spmem:s3] =	stream.indirect.scatter.add.f32 [tilespmem:s31], [sflag:$0x9], $0x80, s29, s24, $0xb8;
	[tilespmem:$0x1ED00] =	vst v63  }
0x73: {  	_ =	swait.ge [sflag:s20], $0x2000  }
0x74: {  	[sflag:s20] =	ssyncset.done $0x0  }
0x75: {  	[sflag:s20] =	ssyncadd.s32 $0xFFFFE000  }
0x76: {  	[spmem:s4] =	stream.indirect.scatter.add.f32 [tilespmem:s22], [sflag:$0x9], $0x1, s29, s24, $0xb8;
	[tilespmem:$0x1ED00] =	vst v63  }
0x77: {  	_ =	swait.ge [sflag:s20], $0x40  }
0x78: {  	[sflag:s20] =	ssyncset.done $0x0  }
0x79: {  	s16 =	sadd.s32 $0x10, s18;
	[sflag:s20] =	ssyncadd.s32 $0xFFFFFFC0  }
0x7a: {  	[tilespmem:s29], [sflag:$0x7] =	stream.linear.gather [hbm4b:s16+s5], $0x40, $0x38;
	[tilespmem:$0x1ED00] =	vst v63  }
0x7b: {  	s17 =	simm.s32 $0x180  }
0x7c: {  	[tilespmem:s31], [sflag:$0x3] =	stream.indirect.gather [hbm4b:s6+s24], $0x80, s17, s24, $0xb8;
	[tilespmem:$0x1ED00] =	vst v63  }
0x7d: {  	_ =	swait.ge [sflag:s13], $0x2000  }
0x7e: {  	[sflag:s13] =	ssyncset.done $0x0  }
0x7f: {  	[sflag:s13] =	ssyncadd.s32 $0xFFFFE000  }
0x80: {  	_ =	swait.ge [sflag:s14], $0x40  }
0x81: {  	[sflag:s14] =	ssyncset.done $0x0  }
0x82: {  	[sflag:s14] =	ssyncadd.s32 $0xFFFFFFC0  }
0x83: {  	[spmem:s3] =	stream.indirect.scatter.add.f32 [tilespmem:s2], [sflag:$0x9], $0x80, s0, s24, $0xb8;
	[tilespmem:$0x1ED00] =	vst v63  }
0x84: {  	_ =	swait.ge [sflag:s20], $0x2000  }
0x85: {  	[sflag:s20] =	ssyncset.done $0x0  }
0x86: {  	[sflag:s20] =	ssyncadd.s32 $0xFFFFE000  }
0x87: {  	[spmem:s4] =	stream.indirect.scatter.add.f32 [tilespmem:s22], [sflag:$0x9], $0x1, s0, s24, $0xb8;
	[tilespmem:$0x1ED00] =	vst v63  }
0x88: {  	_ =	swait.ge [sflag:s20], $0x40  }
0x89: {  	[sflag:s20] =	ssyncset.done $0x0  }
0x8a: {  	s19 =	sadd.s32 $0x18, s18;
	[sflag:s20] =	ssyncadd.s32 $0xFFFFFFC0  }
0x8b: {  	[tilespmem:s0], [sflag:$0x8] =	stream.linear.gather [hbm4b:s19+s5], $0x40, $0x38;
	[tilespmem:$0x1ED00] =	vst v63  }
0x8c: {  	s21 =	simm.s32 $0x1C0  }
0x8d: {  	[tilespmem:s2], [sflag:$0x4] =	stream.indirect.gather [hbm4b:s6+s24], $0x80, s21, s24, $0xb8;
	[tilespmem:$0x1ED00] =	vst v63  }
0x8e: {  	_ =	swait.ge [sflag:s30], $0x2000  }
0x8f: {  	[sflag:s30] =	ssyncset.done $0x0  }
0x90: {  	[sflag:s30] =	ssyncadd.s32 $0xFFFFE000  }
0x91: {  	_ =	swait.ge [sflag:s1], $0x40  }
0x92: {  	[sflag:s1] =	ssyncset.done $0x0  }
0x93: {  	[sflag:s1] =	ssyncadd.s32 $0xFFFFFFC0  }
0x94: {  	[spmem:s3] =	stream.indirect.scatter.add.f32 [tilespmem:s25], [sflag:$0x9], $0x80, s23, s24, $0xb8;
	[tilespmem:$0x1ED00] =	vst v63  }
0x95: {  	_ =	swait.ge [sflag:s20], $0x2000  }
0x96: {  	[sflag:s20] =	ssyncset.done $0x0  }
0x97: {  	[sflag:s20] =	ssyncadd.s32 $0xFFFFE000  }
0x98: {  	[spmem:s4] =	stream.indirect.scatter.add.f32 [tilespmem:s22], [sflag:$0x9], $0x1, s23, s24, $0xb8;
	[tilespmem:$0x1ED00] =	vst v63  }
0x99: {  	_ =	swait.ge [sflag:s20], $0x40  }
0x9a: {  	s16 =	sadd.s32 $0x20, s18;
	s17 =	simm.s32 $0x400;
	[sflag:s20] =	ssyncset.done $0x0  }
.LBB2_4:
0x9b: {  	s19 =	smov.u32 s17  }
0x9c: {  	s10 =	sshra.s32 s17, $0x2;
	[sflag:s20] =	ssyncadd.s32 $0xFFFFFFC0;
	s19 =	sadd.s32 $0x400, s17  }
0x9d: {  	[tilespmem:s23], [sflag:$0x5] =	stream.linear.gather [hbm4b:s16+s5], $0x40, $0x38;
	[tilespmem:$0x1ED00] =	vst v63  }
0x9e: {  	p0 =	sne.s32 s17, $0x9800;
	s21 =	sadd.s32 $0x100, s10  }
0x9f: {  	[tilespmem:s25], [sflag:$0x1] =	stream.indirect.gather [hbm4b:s6+s24], $0x80, s21, s24, $0xb8;
	[tilespmem:$0x1ED00] =	vst v63  }
0xa0: {  	_ =	swait.ge [sflag:s7], $0x2000  }
0xa1: {  	[sflag:s7] =	ssyncset.done $0x0  }
0xa2: {  	[sflag:s7] =	ssyncadd.s32 $0xFFFFE000  }
0xa3: {  	_ =	swait.ge [sflag:s9], $0x40  }
0xa4: {  	[sflag:s9] =	ssyncset.done $0x0  }
0xa5: {  	[sflag:s9] =	ssyncadd.s32 $0xFFFFFFC0  }
0xa6: {  	[spmem:s3] =	stream.indirect.scatter.add.f32 [tilespmem:s28], [sflag:$0x9], $0x80, s26, s24, $0xb8;
	[tilespmem:$0x1ED00] =	vst v63  }
0xa7: {  	_ =	swait.ge [sflag:s20], $0x2000  }
0xa8: {  	[sflag:s20] =	ssyncset.done $0x0  }
0xa9: {  	[sflag:s20] =	ssyncadd.s32 $0xFFFFE000  }
0xaa: {  	[spmem:s4] =	stream.indirect.scatter.add.f32 [tilespmem:s22], [sflag:$0x9], $0x1, s26, s24, $0xb8;
	[tilespmem:$0x1ED00] =	vst v63  }
0xab: {  	_ =	swait.ge [sflag:s20], $0x40  }
0xac: {  	[sflag:s20] =	ssyncset.done $0x0  }
0xad: {  	s17 =	sadd.s32 $0x8, s16;
	[sflag:s20] =	ssyncadd.s32 $0xFFFFFFC0  }
0xae: {  	[tilespmem:s26], [sflag:$0x6] =	stream.linear.gather [hbm4b:s17+s5], $0x40, $0x38;
	[tilespmem:$0x1ED00] =	vst v63  }
0xaf: {  	s17 =	sadd.s32 $0x140, s10  }
0xb0: {  	[tilespmem:s28], [sflag:$0x2] =	stream.indirect.gather [hbm4b:s6+s24], $0x80, s17, s24, $0xb8;
	[tilespmem:$0x1ED00] =	vst v63  }
0xb1: {  	_ =	swait.ge [sflag:s11], $0x2000  }
0xb2: {  	[sflag:s11] =	ssyncset.done $0x0  }
0xb3: {  	[sflag:s11] =	ssyncadd.s32 $0xFFFFE000  }
0xb4: {  	_ =	swait.ge [sflag:s12], $0x40  }
0xb5: {  	[sflag:s12] =	ssyncset.done $0x0  }
0xb6: {  	[sflag:s12] =	ssyncadd.s32 $0xFFFFFFC0  }
0xb7: {  	[spmem:s3] =	stream.indirect.scatter.add.f32 [tilespmem:s31], [sflag:$0x9], $0x80, s29, s24, $0xb8;
	[tilespmem:$0x1ED00] =	vst v63  }
0xb8: {  	_ =	swait.ge [sflag:s20], $0x2000  }
0xb9: {  	[sflag:s20] =	ssyncset.done $0x0  }
0xba: {  	[sflag:s20] =	ssyncadd.s32 $0xFFFFE000  }
0xbb: {  	[spmem:s4] =	stream.indirect.scatter.add.f32 [tilespmem:s22], [sflag:$0x9], $0x1, s29, s24, $0xb8;
	[tilespmem:$0x1ED00] =	vst v63  }
0xbc: {  	_ =	swait.ge [sflag:s20], $0x40  }
0xbd: {  	[sflag:s20] =	ssyncset.done $0x0  }
0xbe: {  	s17 =	sadd.s32 $0x10, s16;
	[sflag:s20] =	ssyncadd.s32 $0xFFFFFFC0  }
0xbf: {  	[tilespmem:s29], [sflag:$0x7] =	stream.linear.gather [hbm4b:s17+s5], $0x40, $0x38;
	[tilespmem:$0x1ED00] =	vst v63  }
0xc0: {  	s17 =	sadd.s32 $0x180, s10  }
0xc1: {  	[tilespmem:s31], [sflag:$0x3] =	stream.indirect.gather [hbm4b:s6+s24], $0x80, s17, s24, $0xb8;
	[tilespmem:$0x1ED00] =	vst v63  }
0xc2: {  	_ =	swait.ge [sflag:s13], $0x2000  }
0xc3: {  	[sflag:s13] =	ssyncset.done $0x0  }
0xc4: {  	[sflag:s13] =	ssyncadd.s32 $0xFFFFE000  }
0xc5: {  	_ =	swait.ge [sflag:s14], $0x40  }
0xc6: {  	[sflag:s14] =	ssyncset.done $0x0  }
0xc7: {  	[sflag:s14] =	ssyncadd.s32 $0xFFFFFFC0  }
0xc8: {  	[spmem:s3] =	stream.indirect.scatter.add.f32 [tilespmem:s2], [sflag:$0x9], $0x80, s0, s24, $0xb8;
	[tilespmem:$0x1ED00] =	vst v63  }
0xc9: {  	_ =	swait.ge [sflag:s20], $0x2000  }
0xca: {  	[sflag:s20] =	ssyncset.done $0x0  }
0xcb: {  	[sflag:s20] =	ssyncadd.s32 $0xFFFFE000  }
0xcc: {  	[spmem:s4] =	stream.indirect.scatter.add.f32 [tilespmem:s22], [sflag:$0x9], $0x1, s0, s24, $0xb8;
	[tilespmem:$0x1ED00] =	vst v63  }
0xcd: {  	_ =	swait.ge [sflag:s20], $0x40  }
0xce: {  	[sflag:s20] =	ssyncset.done $0x0  }
0xcf: {  	s17 =	sadd.s32 $0x18, s16;
	[sflag:s20] =	ssyncadd.s32 $0xFFFFFFC0  }
0xd0: {  	[tilespmem:s0], [sflag:$0x8] =	stream.linear.gather [hbm4b:s17+s5], $0x40, $0x38;
	[tilespmem:$0x1ED00] =	vst v63  }
0xd1: {  	s10 =	sadd.s32 $0x1C0, s10  }
0xd2: {  	[tilespmem:s2], [sflag:$0x4] =	stream.indirect.gather [hbm4b:s6+s24], $0x80, s10, s24, $0xb8;
	[tilespmem:$0x1ED00] =	vst v63  }
0xd3: {  	_ =	swait.ge [sflag:s30], $0x2000  }
0xd4: {  	[sflag:s30] =	ssyncset.done $0x0  }
0xd5: {  	[sflag:s30] =	ssyncadd.s32 $0xFFFFE000  }
0xd6: {  	_ =	swait.ge [sflag:s1], $0x40  }
0xd7: {  	[sflag:s1] =	ssyncset.done $0x0  }
0xd8: {  	[sflag:s1] =	ssyncadd.s32 $0xFFFFFFC0  }
0xd9: {  	[spmem:s3] =	stream.indirect.scatter.add.f32 [tilespmem:s25], [sflag:$0x9], $0x80, s23, s24, $0xb8;
	[tilespmem:$0x1ED00] =	vst v63  }
0xda: {  	_ =	swait.ge [sflag:s20], $0x2000  }
.Ltmp1:
0xdb: {  	[sflag:s20] =	ssyncset.done $0x0;
	(pc) =	sbr.rel @p0 .LBB2_4-.Ltmp1, $4  }
0xdc: {  	[sflag:s20] =	ssyncadd.s32 $0xFFFFE000  }
0xdd: {  	[spmem:s4] =	stream.indirect.scatter.add.f32 [tilespmem:s22], [sflag:$0x9], $0x1, s23, s24, $0xb8;
	[tilespmem:$0x1ED00] =	vst v63  }
0xde: {  	_ =	swait.ge [sflag:s20], $0x40  }
0xdf: {  	s16 =	sadd.s32 $0x20, s16;
	s17 =	smov.u32 s19;
	[sflag:s20] =	ssyncset.done $0x0  }
0xe0: {  	[sflag:s20] =	ssyncadd.s32 $0xFFFFFFC0  }
0xe1: {  	_ =	swait.ge [sflag:s7], $0x2000  }
0xe2: {  	[sflag:s7] =	ssyncset.done $0x0  }
0xe3: {  	[sflag:s7] =	ssyncadd.s32 $0xFFFFE000  }
0xe4: {  	_ =	swait.ge [sflag:s9], $0x40  }
0xe5: {  	[sflag:s9] =	ssyncset.done $0x0  }
0xe6: {  	[sflag:s9] =	ssyncadd.s32 $0xFFFFFFC0  }
0xe7: {  	[spmem:s3] =	stream.indirect.scatter.add.f32 [tilespmem:s28], [sflag:$0x9], $0x80, s26, s24, $0xb8;
	[tilespmem:$0x1ED00] =	vst v63  }
0xe8: {  	_ =	swait.ge [sflag:s20], $0x2000  }
0xe9: {  	[sflag:s20] =	ssyncset.done $0x0  }
0xea: {  	[sflag:s20] =	ssyncadd.s32 $0xFFFFE000  }
0xeb: {  	[spmem:s4] =	stream.indirect.scatter.add.f32 [tilespmem:s22], [sflag:$0x9], $0x1, s26, s24, $0xb8;
	[tilespmem:$0x1ED00] =	vst v63  }
0xec: {  	_ =	swait.ge [sflag:s20], $0x40  }
0xed: {  	[sflag:s20] =	ssyncset.done $0x0  }
0xee: {  	[sflag:s20] =	ssyncadd.s32 $0xFFFFFFC0  }
0xef: {  	_ =	swait.ge [sflag:s11], $0x2000  }
0xf0: {  	[sflag:s11] =	ssyncset.done $0x0  }
0xf1: {  	[sflag:s11] =	ssyncadd.s32 $0xFFFFE000  }
0xf2: {  	_ =	swait.ge [sflag:s12], $0x40  }
0xf3: {  	[sflag:s12] =	ssyncset.done $0x0  }
0xf4: {  	[sflag:s12] =	ssyncadd.s32 $0xFFFFFFC0  }
0xf5: {  	[spmem:s3] =	stream.indirect.scatter.add.f32 [tilespmem:s31], [sflag:$0x9], $0x80, s29, s24, $0xb8;
	[tilespmem:$0x1ED00] =	vst v63  }
0xf6: {  	_ =	swait.ge [sflag:s20], $0x2000  }
0xf7: {  	[sflag:s20] =	ssyncset.done $0x0  }
0xf8: {  	[sflag:s20] =	ssyncadd.s32 $0xFFFFE000  }
0xf9: {  	[spmem:s4] =	stream.indirect.scatter.add.f32 [tilespmem:s22], [sflag:$0x9], $0x1, s29, s24, $0xb8;
	[tilespmem:$0x1ED00] =	vst v63  }
0xfa: {  	_ =	swait.ge [sflag:s20], $0x40  }
0xfb: {  	[sflag:s20] =	ssyncset.done $0x0  }
0xfc: {  	[sflag:s20] =	ssyncadd.s32 $0xFFFFFFC0  }
0xfd: {  	_ =	swait.ge [sflag:s13], $0x2000  }
0xfe: {  	[sflag:s13] =	ssyncset.done $0x0  }
0xff: {  	[sflag:s13] =	ssyncadd.s32 $0xFFFFE000  }
0x100: {  	_ =	swait.ge [sflag:s14], $0x40  }
0x101: {  	[sflag:s14] =	ssyncset.done $0x0  }
0x102: {  	[sflag:s14] =	ssyncadd.s32 $0xFFFFFFC0  }
0x103: {  	[spmem:s3] =	stream.indirect.scatter.add.f32 [tilespmem:s2], [sflag:$0x9], $0x80, s0, s24, $0xb8;
	[tilespmem:$0x1ED00] =	vst v63  }
0x104: {  	_ =	swait.ge [sflag:s20], $0x2000  }
0x105: {  	[sflag:s20] =	ssyncset.done $0x0  }
0x106: {  	[sflag:s20] =	ssyncadd.s32 $0xFFFFE000  }
0x107: {  	[spmem:s4] =	stream.indirect.scatter.add.f32 [tilespmem:s22], [sflag:$0x9], $0x1, s0, s24, $0xb8;
	[tilespmem:$0x1ED00] =	vst v63  }
0x108: {  	_ =	swait.ge [sflag:s20], $0x40  }
0x109: {  	[sflag:s20] =	ssyncset.done $0x0  }
0x10a: {  	[sflag:s20] =	ssyncadd.s32 $0xFFFFFFC0  }
0x10b: {  	[bflag:$0x0] =	sbarrier.arrive $0xFFFF  }
0x10c: {  	s10 =	rddreg [dreg:$0xc]  }
0x10d: {  	s16 =	rddreg [dreg:$0xf]  }
0x10e: {  	[hbm:s10], [sflag:s8] =	dma.local [spmem:s16], $0x2800  }
0x10f: {  	_ =	swait.ge [sflag:s20], $0x2800  }
0x110: {  	[sflag:s20] =	ssyncset.done $0x0;
	s19 =	rddreg [dreg:$0xd]  }
0x111: {  	s17 =	rddreg [dreg:$0x10];
	[sflag:s20] =	ssyncadd.s32 $0xFFFFD800  }
0x112: {  	[hbm:s19], [sflag:s8] =	dma.local [spmem:s17], $0x50  }
0x113: {  	_ =	swait.ge [sflag:s20], $0x50  }
0x114: {  	s15 =	sadd.s32 $0x1, s15;
	s21 =	rddreg [dreg:$0xe]  }
0x115: {  	p0 =	sne.s32 s15, s21  }
.Ltmp2:
0x116: {  	_ = 	snop;
	(pc) =	sbr.rel @p0 .LBB2_1-.Ltmp2, $3  }
0x117: {  	_ =	sdelay $0x1  }
0x118: {  	[sflag:s20] =	ssyncset.done $0x0  }
0x119: {  	[sflag:s20] =	ssyncadd.s32 $0xFFFFFFB0  }
0x11a: {  	_ =	sfence.sel $0x180000  }
0x11b: {  	[bflag:$0x0] =	sbarrier.arrive $0xFFFF  }
0x11c: {  	_ =	strace $0x90000047  }
0x11d: {  	s0 =	stileid.u32;
	[bflag:$0x2] =	sbarrier.arrive $0xFFFF  }
0x11e: {  	p0 =	sne.s32 s0, $0x0;
	s0 =	rddreg [dreg:$0x4]  }
0x11f: {  	s0 =	sadd.s32 @!p0 $0x100000, s0  }
0x120: {  	[sflag:s0] =	ssyncadd.tile.s32 @!p0 $0x1;
	_ =	shalt  }
.Lfunc_end2:
_tile_overlayer_lowered:
.L_overlay_start_2:
0x121: {  	(tag) =	ssettag $0x2  }
0x122: {  	s0 =	rddreg [dreg:$0x0];
	s2 =	stileid.u32  }
0x123: {  	s1 =	rddreg [dreg:$0x1];
	p0 =	sne.s32 s2, $0x0  }
0x124: {  	s3 =	rddreg [dreg:$0x2];
	[bflag:$0x3] =	sbarrier.arrive $0xFFFF;
	s2 =	simm.s32 @!p0 $0x1C09  }
0x125: {  	[timem:s3], [sflag:s2] =	dma.local @!p0 [hbm:s0], s1  }
0x126: {  	s0 =	simm.s32 @!p0 $0x9  }
0x127: {  	_ =	swait.ge @!p0 [sflag:s0], s1  }
0x128: {  	s1 =	ssub.s32 @!p0 $0x0, s1;
	[sflag:s0] =	ssyncset.done @!p0 $0x0  }
0x129: {  	[sflag:s0] =	ssyncadd.s32 @!p0 s1  }
0x12a: {  	[bflag:$0x3] =	sbarrier.arrive $0xFFFF  }
0x12b: {  	_ =	shalt  }

</sc_bundles>
